<compile_context>
chip_gen: v7x
topology: tpu7x:2x2x1
jax: 0.10.2.dev20260603
libtpu: 0.0.44.dev20260713+nightly
codegen_flags: <defaults>
</compile_context>

<pallas_src>
import functools

import jax
import jax.numpy as jnp
from jax import lax
from jax.experimental import pallas as pl
from jax.experimental.pallas import tpu as pltpu
from jax.experimental.pallas import tpu_sc as plsc

EMB_DIM = 128
BATCH = 4096
SEQ = 50
TOTAL = BATCH * SEQ
NUM_WORKERS = 32
RPW = TOTAL // NUM_WORKERS
SLAB = 128
DLEN = 128
DPS = SLAB // DLEN
NG = RPW // SLAB
NBUF = 6

_mesh = plsc.VectorSubcoreMesh(core_axis_name="c", subcore_axis_name="s")


@functools.partial(
    pl.kernel,
    mesh=_mesh,
    out_type=jax.ShapeDtypeStruct((TOTAL, EMB_DIM), jnp.float32),
    scratch_types=[
        pltpu.VMEM((NG * DPS, DLEN), jnp.int32),
        pltpu.VMEM((NBUF, SLAB, EMB_DIM), jnp.float32),
        pltpu.SemaphoreType.DMA,
        pltpu.SemaphoreType.DMA,
    ],
)
def _emb_lookup(idx_hbm, table_hbm, out_hbm, idx_v, rows_v, gsem, osem):
    wid = lax.axis_index("s") * 2 + lax.axis_index("c")
    row0 = wid * RPW
    pltpu.sync_copy(idx_hbm.at[wid], idx_v)

    def gfire(t, b):
        for d in range(DPS):
            pltpu.async_copy(
                table_hbm.at[idx_v.at[t * DPS + d]],
                rows_v.at[b].at[pl.ds(d * DLEN, DLEN)], gsem)

    def ofire(t, b):
        return pltpu.async_copy(
            rows_v.at[b], out_hbm.at[pl.ds(row0 + t * SLAB, SLAB)], osem)

    def gwait():
        for d in range(DPS):
            pltpu.make_async_copy(
                table_hbm.at[idx_v.at[0]],
                rows_v.at[0].at[pl.ds(0, DLEN)], gsem).wait()

    def owait():
        pltpu.make_async_copy(
            rows_v.at[0], out_hbm.at[pl.ds(row0, SLAB)], osem).wait()

    for b in range(NBUF):
        gfire(b, b)
    gwait()
    ofire(0, 0)

    def body(t, carry):
        owait()
        gfire(t + NBUF - 1, lax.rem(t + NBUF - 1, NBUF))
        gwait()
        ofire(t, lax.rem(t, NBUF))
        return carry

    lax.fori_loop(1, NG - NBUF + 1, body, 0)

    for k in range(NBUF - 1):
        t = NG - NBUF + 1 + k
        gwait()
        ofire(t, t % NBUF)
    for _ in range(NBUF):
        owait()


@jax.jit
def kernel(x, table):
    idx = x.T.reshape(NUM_WORKERS, NG * DPS, DLEN).astype(jnp.int32)
    out = _emb_lookup(idx, table)
    return out.reshape(SEQ, BATCH, EMB_DIM).transpose(1, 0, 2)

# --- scband reference (transcript-rebuilt; emitter-appended) ---
"""Pipeline reference for scband-word-embedding-79542794322145 (READ-ONLY COPY).

The authoritative reference and input builder live on the scoring server;
editing this copy changes nothing except your own understanding.
"""

import jax, jax.numpy as jnp
import numpy as np

N_TOKENS = 100000
EMB_DIM = 128

def setup_inputs(seed: int = 0) -> dict:
    key = jax.random.key(seed)
    k1, k2 = jax.random.split(key)
    x = jax.random.randint(k1, (4096, 50), 0, N_TOKENS, dtype=jnp.int64) if jax.config.jax_enable_x64 else jax.random.randint(k1, (4096, 50), 0, N_TOKENS, dtype=jnp.int32)
    table = jax.random.normal(k2, (N_TOKENS + 1, EMB_DIM), dtype=jnp.float32)
    # padding_idx row (index N_TOKENS) is initialized to zeros, matching nn.Embedding padding_idx semantics
    table = table.at[N_TOKENS].set(0.0)
    return {"x": x, "table": table}

def reference(x, table):
    # WordEmbedding.forward: emb = self.emb(x); dropout=0 so it's a no-op
    emb = jnp.take(table, x, axis=0)
    return emb

if __name__ == "__main__":
    import jax
    _d = setup_inputs()
    print(jax.jit(kernel)(*tuple(_d.values())))

</pallas_src>

<mosaic_0001>
#map = affine_map<(d0, d1) -> (0, 0, 0)>
#map1 = affine_map<(d0, d1) -> (0, 0)>
module attributes {stable_mosaic.version = 14 : i64} {
  func.func @_emb_lookup(%arg0: i32, %arg1: i32, %arg2: memref<32x50x128xi32, #tpu.memory_space<hbm>>, %arg3: memref<100001x128xf32, #tpu.memory_space<hbm>>, %arg4: memref<204800x128xf32, #tpu.memory_space<hbm>>, %arg5: memref<50x128xi32, #tpu.memory_space<vmem>>, %arg6: memref<6x128x128xf32, #tpu.memory_space<vmem>>, %arg7: memref<!tpu.dma_semaphore, #tpu.memory_space<semaphore_mem>>, %arg8: memref<!tpu.dma_semaphore, #tpu.memory_space<semaphore_mem>>) attributes {dimension_semantics = [#tpu.dimension_semantics<core_parallel>, #tpu.dimension_semantics<subcore_parallel>], iteration_bounds = array<i64: 2, 16>, scalar_prefetch = 0 : i64, scratch_operands = 4 : i64, tpu.core_type = #tpu.core_type<sc_vector_subcore>, window_params = [{transform_indices = #map}, {transform_indices = #map1}, {transform_indices = #map1}]} {
    %mul3A = arith.constant 2 : i32
    %mul3A_0 = arith.muli %arg1, %mul3A : i32
    %add3A = arith.addi %mul3A_0, %arg0 : i32
    %mul3A_1 = arith.constant 6400 : i32
    %mul3A_2 = arith.muli %add3A, %mul3A_1 : i32
    "tpu.region"() ({
      %run_scoped3A = tpu.sem_alloc : memref<!tpu.dma_semaphore, #tpu.memory_space<semaphore_mem>>
      %dma_start3A_354 = arith.constant 0 : i32
      %dma_start3A_355 = arith.constant 0 : i32
      %dma_start3A_356 = tpu.memref_slice %arg2[%add3A, %dma_start3A_354, %dma_start3A_355] : memref<32x50x128xi32, #tpu.memory_space<hbm>> -> memref<1x50x128xi32, #tpu.memory_space<hbm>>
      %dma_start3A_357 = tpu.memref_squeeze %dma_start3A_356 : memref<1x50x128xi32, #tpu.memory_space<hbm>> -> memref<50x128xi32, #tpu.memory_space<hbm>>
      %dma_start3A_358 = arith.constant 0 : i32
      %dma_start3A_359 = arith.constant 0 : i32
      %dma_start3A_360 = tpu.memref_slice %arg2[%add3A, %dma_start3A_358, %dma_start3A_359] : memref<32x50x128xi32, #tpu.memory_space<hbm>> -> memref<1x50x128xi32, #tpu.memory_space<hbm>>
      %dma_start3A_361 = tpu.memref_squeeze %dma_start3A_360 : memref<1x50x128xi32, #tpu.memory_space<hbm>> -> memref<50x128xi32, #tpu.memory_space<hbm>>
      tpu.enqueue_dma source(%dma_start3A_361 : memref<50x128xi32, #tpu.memory_space<hbm>>) target(%arg5 : memref<50x128xi32, #tpu.memory_space<vmem>>) target_semaphore(%run_scoped3A : memref<!tpu.dma_semaphore, #tpu.memory_space<semaphore_mem>>)
      %dma_wait3A_362 = arith.constant 0 : i32
      %dma_wait3A_363 = arith.constant 0 : i32
      %dma_wait3A_364 = tpu.memref_slice %arg2[%add3A, %dma_wait3A_362, %dma_wait3A_363] : memref<32x50x128xi32, #tpu.memory_space<hbm>> -> memref<1x50x128xi32, #tpu.memory_space<hbm>>
      %dma_wait3A_365 = tpu.memref_squeeze %dma_wait3A_364 : memref<1x50x128xi32, #tpu.memory_space<hbm>> -> memref<50x128xi32, #tpu.memory_space<hbm>>
      %dma_wait3A_366 = arith.constant 0 : i32
      %dma_wait3A_367 = arith.constant 0 : i32
      %dma_wait3A_368 = tpu.memref_slice %arg2[%add3A, %dma_wait3A_366, %dma_wait3A_367] : memref<32x50x128xi32, #tpu.memory_space<hbm>> -> memref<1x50x128xi32, #tpu.memory_space<hbm>>
      %dma_wait3A_369 = tpu.memref_squeeze %dma_wait3A_368 : memref<1x50x128xi32, #tpu.memory_space<hbm>> -> memref<50x128xi32, #tpu.memory_space<hbm>>
      tpu.wait_dma2 semaphore(%run_scoped3A : memref<!tpu.dma_semaphore, #tpu.memory_space<semaphore_mem>>) src(%dma_wait3A_369 : memref<50x128xi32, #tpu.memory_space<hbm>>) dst(%arg5 : memref<50x128xi32, #tpu.memory_space<vmem>>)
      tpu.yield
    }) : () -> ()
    %dma_start3A = arith.constant 0 : i32
    %dma_start3A_3 = arith.constant 0 : i32
    %dma_start3A_4 = arith.constant 0 : i32
    %dma_start3A_5 = arith.constant 0 : i32
    %dma_start3A_6 = tpu.memref_slice %arg6[%dma_start3A_3, %dma_start3A_4, %dma_start3A_5] : memref<6x128x128xf32, #tpu.memory_space<vmem>> -> memref<1x128x128xf32, #tpu.memory_space<vmem>>
    %dma_start3A_7 = tpu.memref_squeeze %dma_start3A_6 : memref<1x128x128xf32, #tpu.memory_space<vmem>> -> memref<128x128xf32, #tpu.memory_space<vmem>>
    %dma_start3A_8 = arith.constant 0 : i32
    %dma_start3A_9 = arith.constant 0 : i32
    %dma_start3A_10 = tpu.memref_slice %dma_start3A_7[%dma_start3A_8, %dma_start3A_9] : memref<128x128xf32, #tpu.memory_space<vmem>> -> memref<128x128xf32, #tpu.memory_space<vmem>>
    %dma_start3A_11 = arith.constant 0 : i32
    %dma_start3A_12 = tpu.memref_slice %arg5[%dma_start3A, %dma_start3A_11] : memref<50x128xi32, #tpu.memory_space<vmem>> -> memref<1x128xi32, #tpu.memory_space<vmem>>
    %dma_start3A_13 = tpu.memref_squeeze %dma_start3A_12 : memref<1x128xi32, #tpu.memory_space<vmem>> -> memref<128xi32, #tpu.memory_space<vmem>>
    %dma_start3A_14 = arith.constant 0 : i32
    %dma_start3A_15 = arith.constant 0 : i32
    %dma_start3A_16 = tpu.memref_slice %arg3[%dma_start3A_14, %dma_start3A_15] : memref<100001x128xf32, #tpu.memory_space<hbm>> -> memref<100001x128xf32, #tpu.memory_space<hbm>>
    tpu.enqueue_indirect_dma source(%dma_start3A_16 : memref<100001x128xf32, #tpu.memory_space<hbm>>) target(%dma_start3A_10 : memref<128x128xf32, #tpu.memory_space<vmem>>) offsets(%dma_start3A_13 : memref<128xi32, #tpu.memory_space<vmem>>) semaphore(%arg7 : memref<!tpu.dma_semaphore, #tpu.memory_space<semaphore_mem>>)
    %dma_start3A_17 = arith.constant 1 : i32
    %dma_start3A_18 = arith.constant 1 : i32
    %dma_start3A_19 = arith.constant 0 : i32
    %dma_start3A_20 = arith.constant 0 : i32
    %dma_start3A_21 = tpu.memref_slice %arg6[%dma_start3A_18, %dma_start3A_19, %dma_start3A_20] : memref<6x128x128xf32, #tpu.memory_space<vmem>> -> memref<1x128x128xf32, #tpu.memory_space<vmem>>
    %dma_start3A_22 = tpu.memref_squeeze %dma_start3A_21 : memref<1x128x128xf32, #tpu.memory_space<vmem>> -> memref<128x128xf32, #tpu.memory_space<vmem>>
    %dma_start3A_23 = arith.constant 0 : i32
    %dma_start3A_24 = arith.constant 0 : i32
    %dma_start3A_25 = tpu.memref_slice %dma_start3A_22[%dma_start3A_23, %dma_start3A_24] : memref<128x128xf32, #tpu.memory_space<vmem>> -> memref<128x128xf32, #tpu.memory_space<vmem>>
    %dma_start3A_26 = arith.constant 0 : i32
    %dma_start3A_27 = tpu.memref_slice %arg5[%dma_start3A_17, %dma_start3A_26] : memref<50x128xi32, #tpu.memory_space<vmem>> -> memref<1x128xi32, #tpu.memory_space<vmem>>
    %dma_start3A_28 = tpu.memref_squeeze %dma_start3A_27 : memref<1x128xi32, #tpu.memory_space<vmem>> -> memref<128xi32, #tpu.memory_space<vmem>>
    %dma_start3A_29 = arith.constant 0 : i32
    %dma_start3A_30 = arith.constant 0 : i32
    %dma_start3A_31 = tpu.memref_slice %arg3[%dma_start3A_29, %dma_start3A_30] : memref<100001x128xf32, #tpu.memory_space<hbm>> -> memref<100001x128xf32, #tpu.memory_space<hbm>>
    tpu.enqueue_indirect_dma source(%dma_start3A_31 : memref<100001x128xf32, #tpu.memory_space<hbm>>) target(%dma_start3A_25 : memref<128x128xf32, #tpu.memory_space<vmem>>) offsets(%dma_start3A_28 : memref<128xi32, #tpu.memory_space<vmem>>) semaphore(%arg7 : memref<!tpu.dma_semaphore, #tpu.memory_space<semaphore_mem>>)
    %dma_start3A_32 = arith.constant 2 : i32
    %dma_start3A_33 = arith.constant 2 : i32
    %dma_start3A_34 = arith.constant 0 : i32
    %dma_start3A_35 = arith.constant 0 : i32
    %dma_start3A_36 = tpu.memref_slice %arg6[%dma_start3A_33, %dma_start3A_34, %dma_start3A_35] : memref<6x128x128xf32, #tpu.memory_space<vmem>> -> memref<1x128x128xf32, #tpu.memory_space<vmem>>
    %dma_start3A_37 = tpu.memref_squeeze %dma_start3A_36 : memref<1x128x128xf32, #tpu.memory_space<vmem>> -> memref<128x128xf32, #tpu.memory_space<vmem>>
    %dma_start3A_38 = arith.constant 0 : i32
    %dma_start3A_39 = arith.constant 0 : i32
    %dma_start3A_40 = tpu.memref_slice %dma_start3A_37[%dma_start3A_38, %dma_start3A_39] : memref<128x128xf32, #tpu.memory_space<vmem>> -> memref<128x128xf32, #tpu.memory_space<vmem>>
    %dma_start3A_41 = arith.constant 0 : i32
    %dma_start3A_42 = tpu.memref_slice %arg5[%dma_start3A_32, %dma_start3A_41] : memref<50x128xi32, #tpu.memory_space<vmem>> -> memref<1x128xi32, #tpu.memory_space<vmem>>
    %dma_start3A_43 = tpu.memref_squeeze %dma_start3A_42 : memref<1x128xi32, #tpu.memory_space<vmem>> -> memref<128xi32, #tpu.memory_space<vmem>>
    %dma_start3A_44 = arith.constant 0 : i32
    %dma_start3A_45 = arith.constant 0 : i32
    %dma_start3A_46 = tpu.memref_slice %arg3[%dma_start3A_44, %dma_start3A_45] : memref<100001x128xf32, #tpu.memory_space<hbm>> -> memref<100001x128xf32, #tpu.memory_space<hbm>>
    tpu.enqueue_indirect_dma source(%dma_start3A_46 : memref<100001x128xf32, #tpu.memory_space<hbm>>) target(%dma_start3A_40 : memref<128x128xf32, #tpu.memory_space<vmem>>) offsets(%dma_start3A_43 : memref<128xi32, #tpu.memory_space<vmem>>) semaphore(%arg7 : memref<!tpu.dma_semaphore, #tpu.memory_space<semaphore_mem>>)
    %dma_start3A_47 = arith.constant 3 : i32
    %dma_start3A_48 = arith.constant 3 : i32
    %dma_start3A_49 = arith.constant 0 : i32
    %dma_start3A_50 = arith.constant 0 : i32
    %dma_start3A_51 = tpu.memref_slice %arg6[%dma_start3A_48, %dma_start3A_49, %dma_start3A_50] : memref<6x128x128xf32, #tpu.memory_space<vmem>> -> memref<1x128x128xf32, #tpu.memory_space<vmem>>
    %dma_start3A_52 = tpu.memref_squeeze %dma_start3A_51 : memref<1x128x128xf32, #tpu.memory_space<vmem>> -> memref<128x128xf32, #tpu.memory_space<vmem>>
    %dma_start3A_53 = arith.constant 0 : i32
    %dma_start3A_54 = arith.constant 0 : i32
    %dma_start3A_55 = tpu.memref_slice %dma_start3A_52[%dma_start3A_53, %dma_start3A_54] : memref<128x128xf32, #tpu.memory_space<vmem>> -> memref<128x128xf32, #tpu.memory_space<vmem>>
    %dma_start3A_56 = arith.constant 0 : i32
    %dma_start3A_57 = tpu.memref_slice %arg5[%dma_start3A_47, %dma_start3A_56] : memref<50x128xi32, #tpu.memory_space<vmem>> -> memref<1x128xi32, #tpu.memory_space<vmem>>
    %dma_start3A_58 = tpu.memref_squeeze %dma_start3A_57 : memref<1x128xi32, #tpu.memory_space<vmem>> -> memref<128xi32, #tpu.memory_space<vmem>>
    %dma_start3A_59 = arith.constant 0 : i32
    %dma_start3A_60 = arith.constant 0 : i32
    %dma_start3A_61 = tpu.memref_slice %arg3[%dma_start3A_59, %dma_start3A_60] : memref<100001x128xf32, #tpu.memory_space<hbm>> -> memref<100001x128xf32, #tpu.memory_space<hbm>>
    tpu.enqueue_indirect_dma source(%dma_start3A_61 : memref<100001x128xf32, #tpu.memory_space<hbm>>) target(%dma_start3A_55 : memref<128x128xf32, #tpu.memory_space<vmem>>) offsets(%dma_start3A_58 : memref<128xi32, #tpu.memory_space<vmem>>) semaphore(%arg7 : memref<!tpu.dma_semaphore, #tpu.memory_space<semaphore_mem>>)
    %dma_start3A_62 = arith.constant 4 : i32
    %dma_start3A_63 = arith.constant 4 : i32
    %dma_start3A_64 = arith.constant 0 : i32
    %dma_start3A_65 = arith.constant 0 : i32
    %dma_start3A_66 = tpu.memref_slice %arg6[%dma_start3A_63, %dma_start3A_64, %dma_start3A_65] : memref<6x128x128xf32, #tpu.memory_space<vmem>> -> memref<1x128x128xf32, #tpu.memory_space<vmem>>
    %dma_start3A_67 = tpu.memref_squeeze %dma_start3A_66 : memref<1x128x128xf32, #tpu.memory_space<vmem>> -> memref<128x128xf32, #tpu.memory_space<vmem>>
    %dma_start3A_68 = arith.constant 0 : i32
    %dma_start3A_69 = arith.constant 0 : i32
    %dma_start3A_70 = tpu.memref_slice %dma_start3A_67[%dma_start3A_68, %dma_start3A_69] : memref<128x128xf32, #tpu.memory_space<vmem>> -> memref<128x128xf32, #tpu.memory_space<vmem>>
    %dma_start3A_71 = arith.constant 0 : i32
    %dma_start3A_72 = tpu.memref_slice %arg5[%dma_start3A_62, %dma_start3A_71] : memref<50x128xi32, #tpu.memory_space<vmem>> -> memref<1x128xi32, #tpu.memory_space<vmem>>
    %dma_start3A_73 = tpu.memref_squeeze %dma_start3A_72 : memref<1x128xi32, #tpu.memory_space<vmem>> -> memref<128xi32, #tpu.memory_space<vmem>>
    %dma_start3A_74 = arith.constant 0 : i32
    %dma_start3A_75 = arith.constant 0 : i32
    %dma_start3A_76 = tpu.memref_slice %arg3[%dma_start3A_74, %dma_start3A_75] : memref<100001x128xf32, #tpu.memory_space<hbm>> -> memref<100001x128xf32, #tpu.memory_space<hbm>>
    tpu.enqueue_indirect_dma source(%dma_start3A_76 : memref<100001x128xf32, #tpu.memory_space<hbm>>) target(%dma_start3A_70 : memref<128x128xf32, #tpu.memory_space<vmem>>) offsets(%dma_start3A_73 : memref<128xi32, #tpu.memory_space<vmem>>) semaphore(%arg7 : memref<!tpu.dma_semaphore, #tpu.memory_space<semaphore_mem>>)
    %dma_start3A_77 = arith.constant 5 : i32
    %dma_start3A_78 = arith.constant 5 : i32
    %dma_start3A_79 = arith.constant 0 : i32
    %dma_start3A_80 = arith.constant 0 : i32
    %dma_start3A_81 = tpu.memref_slice %arg6[%dma_start3A_78, %dma_start3A_79, %dma_start3A_80] : memref<6x128x128xf32, #tpu.memory_space<vmem>> -> memref<1x128x128xf32, #tpu.memory_space<vmem>>
    %dma_start3A_82 = tpu.memref_squeeze %dma_start3A_81 : memref<1x128x128xf32, #tpu.memory_space<vmem>> -> memref<128x128xf32, #tpu.memory_space<vmem>>
    %dma_start3A_83 = arith.constant 0 : i32
    %dma_start3A_84 = arith.constant 0 : i32
    %dma_start3A_85 = tpu.memref_slice %dma_start3A_82[%dma_start3A_83, %dma_start3A_84] : memref<128x128xf32, #tpu.memory_space<vmem>> -> memref<128x128xf32, #tpu.memory_space<vmem>>
    %dma_start3A_86 = arith.constant 0 : i32
    %dma_start3A_87 = tpu.memref_slice %arg5[%dma_start3A_77, %dma_start3A_86] : memref<50x128xi32, #tpu.memory_space<vmem>> -> memref<1x128xi32, #tpu.memory_space<vmem>>
    %dma_start3A_88 = tpu.memref_squeeze %dma_start3A_87 : memref<1x128xi32, #tpu.memory_space<vmem>> -> memref<128xi32, #tpu.memory_space<vmem>>
    %dma_start3A_89 = arith.constant 0 : i32
    %dma_start3A_90 = arith.constant 0 : i32
    %dma_start3A_91 = tpu.memref_slice %arg3[%dma_start3A_89, %dma_start3A_90] : memref<100001x128xf32, #tpu.memory_space<hbm>> -> memref<100001x128xf32, #tpu.memory_space<hbm>>
    tpu.enqueue_indirect_dma source(%dma_start3A_91 : memref<100001x128xf32, #tpu.memory_space<hbm>>) target(%dma_start3A_85 : memref<128x128xf32, #tpu.memory_space<vmem>>) offsets(%dma_start3A_88 : memref<128xi32, #tpu.memory_space<vmem>>) semaphore(%arg7 : memref<!tpu.dma_semaphore, #tpu.memory_space<semaphore_mem>>)
    %dma_wait3A = arith.constant 0 : i32
    %dma_wait3A_92 = arith.constant 0 : i32
    %dma_wait3A_93 = arith.constant 0 : i32
    %dma_wait3A_94 = arith.constant 0 : i32
    %dma_wait3A_95 = tpu.memref_slice %arg6[%dma_wait3A_92, %dma_wait3A_93, %dma_wait3A_94] : memref<6x128x128xf32, #tpu.memory_space<vmem>> -> memref<1x128x128xf32, #tpu.memory_space<vmem>>
    %dma_wait3A_96 = tpu.memref_squeeze %dma_wait3A_95 : memref<1x128x128xf32, #tpu.memory_space<vmem>> -> memref<128x128xf32, #tpu.memory_space<vmem>>
    %dma_wait3A_97 = arith.constant 0 : i32
    %dma_wait3A_98 = arith.constant 0 : i32
    %dma_wait3A_99 = tpu.memref_slice %dma_wait3A_96[%dma_wait3A_97, %dma_wait3A_98] : memref<128x128xf32, #tpu.memory_space<vmem>> -> memref<128x128xf32, #tpu.memory_space<vmem>>
    %dma_wait3A_100 = arith.constant 0 : i32
    %dma_wait3A_101 = tpu.memref_slice %arg5[%dma_wait3A, %dma_wait3A_100] : memref<50x128xi32, #tpu.memory_space<vmem>> -> memref<1x128xi32, #tpu.memory_space<vmem>>
    %dma_wait3A_102 = tpu.memref_squeeze %dma_wait3A_101 : memref<1x128xi32, #tpu.memory_space<vmem>> -> memref<128xi32, #tpu.memory_space<vmem>>
    %dma_wait3A_103 = arith.constant 0 : i32
    %dma_wait3A_104 = arith.constant 0 : i32
    %dma_wait3A_105 = tpu.memref_slice %arg3[%dma_wait3A_103, %dma_wait3A_104] : memref<100001x128xf32, #tpu.memory_space<hbm>> -> memref<100001x128xf32, #tpu.memory_space<hbm>>
    tpu.wait_indirect_dma semaphore(%arg7 : memref<!tpu.dma_semaphore, #tpu.memory_space<semaphore_mem>>) src(%dma_wait3A_105 : memref<100001x128xf32, #tpu.memory_space<hbm>>) dst(%dma_wait3A_99 : memref<128x128xf32, #tpu.memory_space<vmem>>)
    %add3A_106 = arith.constant 0 : i32
    %add3A_107 = arith.addi %mul3A_2, %add3A_106 : i32
    %dma_start3A_108 = arith.constant 0 : i32
    %dma_start3A_109 = arith.constant 0 : i32
    %dma_start3A_110 = arith.constant 0 : i32
    %dma_start3A_111 = tpu.memref_slice %arg6[%dma_start3A_108, %dma_start3A_109, %dma_start3A_110] : memref<6x128x128xf32, #tpu.memory_space<vmem>> -> memref<1x128x128xf32, #tpu.memory_space<vmem>>
    %dma_start3A_112 = tpu.memref_squeeze %dma_start3A_111 : memref<1x128x128xf32, #tpu.memory_space<vmem>> -> memref<128x128xf32, #tpu.memory_space<vmem>>
    %dma_start3A_113 = arith.constant 0 : i32
    %dma_start3A_114 = tpu.memref_slice %arg4[%add3A_107, %dma_start3A_113] : memref<204800x128xf32, #tpu.memory_space<hbm>> -> memref<128x128xf32, #tpu.memory_space<hbm>>
    %dma_start3A_115 = arith.constant 0 : i32
    %dma_start3A_116 = tpu.memref_slice %arg4[%add3A_107, %dma_start3A_115] : memref<204800x128xf32, #tpu.memory_space<hbm>> -> memref<128x128xf32, #tpu.memory_space<hbm>>
    %dma_start3A_117 = arith.constant 0 : i32
    %dma_start3A_118 = arith.constant 0 : i32
    %dma_start3A_119 = tpu.memref_slice %arg6[%dma_start3A_108, %dma_start3A_117, %dma_start3A_118] : memref<6x128x128xf32, #tpu.memory_space<vmem>> -> memref<1x128x128xf32, #tpu.memory_space<vmem>>
    %dma_start3A_120 = tpu.memref_squeeze %dma_start3A_119 : memref<1x128x128xf32, #tpu.memory_space<vmem>> -> memref<128x128xf32, #tpu.memory_space<vmem>>
    tpu.enqueue_dma source(%dma_start3A_120 : memref<128x128xf32, #tpu.memory_space<vmem>>) target(%dma_start3A_116 : memref<128x128xf32, #tpu.memory_space<hbm>>) target_semaphore(%arg8 : memref<!tpu.dma_semaphore, #tpu.memory_space<semaphore_mem>>)
    %scan3A = arith.constant 0 : i32
    %scan3A_121 = arith.constant 1 : i32
    %scan3A_122 = arith.constant 44 : i32
    %scan3A_123 = arith.addi %scan3A_121, %scan3A_122 : i32
    %scan3A_124 = arith.constant 1 : i32
    scf.for %scan3A_354 = %scan3A_121 to %scan3A_123 step %scan3A_124  : i32 {
      %dma_wait3A_355 = arith.constant 0 : i32
      %dma_wait3A_356 = arith.constant 0 : i32
      %dma_wait3A_357 = arith.constant 0 : i32
      %dma_wait3A_358 = tpu.memref_slice %arg6[%dma_wait3A_355, %dma_wait3A_356, %dma_wait3A_357] : memref<6x128x128xf32, #tpu.memory_space<vmem>> -> memref<1x128x128xf32, #tpu.memory_space<vmem>>
      %dma_wait3A_359 = tpu.memref_squeeze %dma_wait3A_358 : memref<1x128x128xf32, #tpu.memory_space<vmem>> -> memref<128x128xf32, #tpu.memory_space<vmem>>
      %dma_wait3A_360 = arith.constant 0 : i32
      %dma_wait3A_361 = tpu.memref_slice %arg4[%mul3A_2, %dma_wait3A_360] : memref<204800x128xf32, #tpu.memory_space<hbm>> -> memref<128x128xf32, #tpu.memory_space<hbm>>
      %dma_wait3A_362 = arith.constant 0 : i32
      %dma_wait3A_363 = tpu.memref_slice %arg4[%mul3A_2, %dma_wait3A_362] : memref<204800x128xf32, #tpu.memory_space<hbm>> -> memref<128x128xf32, #tpu.memory_space<hbm>>
      %dma_wait3A_364 = arith.constant 0 : i32
      %dma_wait3A_365 = arith.constant 0 : i32
      %dma_wait3A_366 = tpu.memref_slice %arg6[%dma_wait3A_355, %dma_wait3A_364, %dma_wait3A_365] : memref<6x128x128xf32, #tpu.memory_space<vmem>> -> memref<1x128x128xf32, #tpu.memory_space<vmem>>
      %dma_wait3A_367 = tpu.memref_squeeze %dma_wait3A_366 : memref<1x128x128xf32, #tpu.memory_space<vmem>> -> memref<128x128xf32, #tpu.memory_space<vmem>>
      tpu.wait_dma2 semaphore(%arg8 : memref<!tpu.dma_semaphore, #tpu.memory_space<semaphore_mem>>) src(%dma_wait3A_367 : memref<128x128xf32, #tpu.memory_space<vmem>>) dst(%dma_wait3A_363 : memref<128x128xf32, #tpu.memory_space<hbm>>)
      %add3A_368 = arith.constant 6 : i32
      %add3A_369 = arith.addi %scan3A_354, %add3A_368 : i32
      %sub3A = arith.constant 1 : i32
      %sub3A_370 = arith.subi %add3A_369, %sub3A : i32
      %add3A_371 = arith.constant 6 : i32
      %add3A_372 = arith.addi %scan3A_354, %add3A_371 : i32
      %sub3A_373 = arith.constant 1 : i32
      %sub3A_374 = arith.subi %add3A_372, %sub3A_373 : i32
      %rem3A = arith.constant 6 : i32
      %rem3A_375 = arith.remsi %sub3A_374, %rem3A : i32
      %mul3A_376 = arith.constant 1 : i32
      %mul3A_377 = arith.muli %sub3A_370, %mul3A_376 : i32
      %add3A_378 = arith.constant 0 : i32
      %add3A_379 = arith.addi %mul3A_377, %add3A_378 : i32
      %dma_start3A_380 = arith.constant 0 : i32
      %dma_start3A_381 = arith.constant 0 : i32
      %dma_start3A_382 = tpu.memref_slice %arg6[%rem3A_375, %dma_start3A_380, %dma_start3A_381] : memref<6x128x128xf32, #tpu.memory_space<vmem>> -> memref<1x128x128xf32, #tpu.memory_space<vmem>>
      %dma_start3A_383 = tpu.memref_squeeze %dma_start3A_382 : memref<1x128x128xf32, #tpu.memory_space<vmem>> -> memref<128x128xf32, #tpu.memory_space<vmem>>
      %dma_start3A_384 = arith.constant 0 : i32
      %dma_start3A_385 = arith.constant 0 : i32
      %dma_start3A_386 = tpu.memref_slice %dma_start3A_383[%dma_start3A_384, %dma_start3A_385] : memref<128x128xf32, #tpu.memory_space<vmem>> -> memref<128x128xf32, #tpu.memory_space<vmem>>
      %dma_start3A_387 = arith.constant 0 : i32
      %dma_start3A_388 = tpu.memref_slice %arg5[%add3A_379, %dma_start3A_387] : memref<50x128xi32, #tpu.memory_space<vmem>> -> memref<1x128xi32, #tpu.memory_space<vmem>>
      %dma_start3A_389 = tpu.memref_squeeze %dma_start3A_388 : memref<1x128xi32, #tpu.memory_space<vmem>> -> memref<128xi32, #tpu.memory_space<vmem>>
      %dma_start3A_390 = arith.constant 0 : i32
      %dma_start3A_391 = arith.constant 0 : i32
      %dma_start3A_392 = tpu.memref_slice %arg3[%dma_start3A_390, %dma_start3A_391] : memref<100001x128xf32, #tpu.memory_space<hbm>> -> memref<100001x128xf32, #tpu.memory_space<hbm>>
      tpu.enqueue_indirect_dma source(%dma_start3A_392 : memref<100001x128xf32, #tpu.memory_space<hbm>>) target(%dma_start3A_386 : memref<128x128xf32, #tpu.memory_space<vmem>>) offsets(%dma_start3A_389 : memref<128xi32, #tpu.memory_space<vmem>>) semaphore(%arg7 : memref<!tpu.dma_semaphore, #tpu.memory_space<semaphore_mem>>)
      %dma_wait3A_393 = arith.constant 0 : i32
      %dma_wait3A_394 = arith.constant 0 : i32
      %dma_wait3A_395 = arith.constant 0 : i32
      %dma_wait3A_396 = arith.constant 0 : i32
      %dma_wait3A_397 = tpu.memref_slice %arg6[%dma_wait3A_394, %dma_wait3A_395, %dma_wait3A_396] : memref<6x128x128xf32, #tpu.memory_space<vmem>> -> memref<1x128x128xf32, #tpu.memory_space<vmem>>
      %dma_wait3A_398 = tpu.memref_squeeze %dma_wait3A_397 : memref<1x128x128xf32, #tpu.memory_space<vmem>> -> memref<128x128xf32, #tpu.memory_space<vmem>>
      %dma_wait3A_399 = arith.constant 0 : i32
      %dma_wait3A_400 = arith.constant 0 : i32
      %dma_wait3A_401 = tpu.memref_slice %dma_wait3A_398[%dma_wait3A_399, %dma_wait3A_400] : memref<128x128xf32, #tpu.memory_space<vmem>> -> memref<128x128xf32, #tpu.memory_space<vmem>>
      %dma_wait3A_402 = arith.constant 0 : i32
      %dma_wait3A_403 = tpu.memref_slice %arg5[%dma_wait3A_393, %dma_wait3A_402] : memref<50x128xi32, #tpu.memory_space<vmem>> -> memref<1x128xi32, #tpu.memory_space<vmem>>
      %dma_wait3A_404 = tpu.memref_squeeze %dma_wait3A_403 : memref<1x128xi32, #tpu.memory_space<vmem>> -> memref<128xi32, #tpu.memory_space<vmem>>
      %dma_wait3A_405 = arith.constant 0 : i32
      %dma_wait3A_406 = arith.constant 0 : i32
      %dma_wait3A_407 = tpu.memref_slice %arg3[%dma_wait3A_405, %dma_wait3A_406] : memref<100001x128xf32, #tpu.memory_space<hbm>> -> memref<100001x128xf32, #tpu.memory_space<hbm>>
      tpu.wait_indirect_dma semaphore(%arg7 : memref<!tpu.dma_semaphore, #tpu.memory_space<semaphore_mem>>) src(%dma_wait3A_407 : memref<100001x128xf32, #tpu.memory_space<hbm>>) dst(%dma_wait3A_401 : memref<128x128xf32, #tpu.memory_space<vmem>>)
      %rem3A_408 = arith.constant 6 : i32
      %rem3A_409 = arith.remsi %scan3A_354, %rem3A_408 : i32
      %mul3A_410 = arith.constant 128 : i32
      %mul3A_411 = arith.muli %scan3A_354, %mul3A_410 : i32
      %add3A_412 = arith.addi %mul3A_2, %mul3A_411 : i32
      %dma_start3A_413 = arith.constant 0 : i32
      %dma_start3A_414 = arith.constant 0 : i32
      %dma_start3A_415 = tpu.memref_slice %arg6[%rem3A_409, %dma_start3A_413, %dma_start3A_414] : memref<6x128x128xf32, #tpu.memory_space<vmem>> -> memref<1x128x128xf32, #tpu.memory_space<vmem>>
      %dma_start3A_416 = tpu.memref_squeeze %dma_start3A_415 : memref<1x128x128xf32, #tpu.memory_space<vmem>> -> memref<128x128xf32, #tpu.memory_space<vmem>>
      %dma_start3A_417 = arith.constant 0 : i32
      %dma_start3A_418 = tpu.memref_slice %arg4[%add3A_412, %dma_start3A_417] : memref<204800x128xf32, #tpu.memory_space<hbm>> -> memref<128x128xf32, #tpu.memory_space<hbm>>
      %dma_start3A_419 = arith.constant 0 : i32
      %dma_start3A_420 = tpu.memref_slice %arg4[%add3A_412, %dma_start3A_419] : memref<204800x128xf32, #tpu.memory_space<hbm>> -> memref<128x128xf32, #tpu.memory_space<hbm>>
      %dma_start3A_421 = arith.constant 0 : i32
      %dma_start3A_422 = arith.constant 0 : i32
      %dma_start3A_423 = tpu.memref_slice %arg6[%rem3A_409, %dma_start3A_421, %dma_start3A_422] : memref<6x128x128xf32, #tpu.memory_space<vmem>> -> memref<1x128x128xf32, #tpu.memory_space<vmem>>
      %dma_start3A_424 = tpu.memref_squeeze %dma_start3A_423 : memref<1x128x128xf32, #tpu.memory_space<vmem>> -> memref<128x128xf32, #tpu.memory_space<vmem>>
      tpu.enqueue_dma source(%dma_start3A_424 : memref<128x128xf32, #tpu.memory_space<vmem>>) target(%dma_start3A_420 : memref<128x128xf32, #tpu.memory_space<hbm>>) target_semaphore(%arg8 : memref<!tpu.dma_semaphore, #tpu.memory_space<semaphore_mem>>)
    }
    %scan3A_125 = arith.constant 44 : i32
    %dma_wait3A_126 = arith.constant 0 : i32
    %dma_wait3A_127 = arith.constant 0 : i32
    %dma_wait3A_128 = arith.constant 0 : i32
    %dma_wait3A_129 = arith.constant 0 : i32
    %dma_wait3A_130 = tpu.memref_slice %arg6[%dma_wait3A_127, %dma_wait3A_128, %dma_wait3A_129] : memref<6x128x128xf32, #tpu.memory_space<vmem>> -> memref<1x128x128xf32, #tpu.memory_space<vmem>>
    %dma_wait3A_131 = tpu.memref_squeeze %dma_wait3A_130 : memref<1x128x128xf32, #tpu.memory_space<vmem>> -> memref<128x128xf32, #tpu.memory_space<vmem>>
    %dma_wait3A_132 = arith.constant 0 : i32
    %dma_wait3A_133 = arith.constant 0 : i32
    %dma_wait3A_134 = tpu.memref_slice %dma_wait3A_131[%dma_wait3A_132, %dma_wait3A_133] : memref<128x128xf32, #tpu.memory_space<vmem>> -> memref<128x128xf32, #tpu.memory_space<vmem>>
    %dma_wait3A_135 = arith.constant 0 : i32
    %dma_wait3A_136 = tpu.memref_slice %arg5[%dma_wait3A_126, %dma_wait3A_135] : memref<50x128xi32, #tpu.memory_space<vmem>> -> memref<1x128xi32, #tpu.memory_space<vmem>>
    %dma_wait3A_137 = tpu.memref_squeeze %dma_wait3A_136 : memref<1x128xi32, #tpu.memory_space<vmem>> -> memref<128xi32, #tpu.memory_space<vmem>>
    %dma_wait3A_138 = arith.constant 0 : i32
    %dma_wait3A_139 = arith.constant 0 : i32
    %dma_wait3A_140 = tpu.memref_slice %arg3[%dma_wait3A_138, %dma_wait3A_139] : memref<100001x128xf32, #tpu.memory_space<hbm>> -> memref<100001x128xf32, #tpu.memory_space<hbm>>
    tpu.wait_indirect_dma semaphore(%arg7 : memref<!tpu.dma_semaphore, #tpu.memory_space<semaphore_mem>>) src(%dma_wait3A_140 : memref<100001x128xf32, #tpu.memory_space<hbm>>) dst(%dma_wait3A_134 : memref<128x128xf32, #tpu.memory_space<vmem>>)
    %add3A_141 = arith.constant 5760 : i32
    %add3A_142 = arith.addi %mul3A_2, %add3A_141 : i32
    %dma_start3A_143 = arith.constant 3 : i32
    %dma_start3A_144 = arith.constant 0 : i32
    %dma_start3A_145 = arith.constant 0 : i32
    %dma_start3A_146 = tpu.memref_slice %arg6[%dma_start3A_143, %dma_start3A_144, %dma_start3A_145] : memref<6x128x128xf32, #tpu.memory_space<vmem>> -> memref<1x128x128xf32, #tpu.memory_space<vmem>>
    %dma_start3A_147 = tpu.memref_squeeze %dma_start3A_146 : memref<1x128x128xf32, #tpu.memory_space<vmem>> -> memref<128x128xf32, #tpu.memory_space<vmem>>
    %dma_start3A_148 = arith.constant 0 : i32
    %dma_start3A_149 = tpu.memref_slice %arg4[%add3A_142, %dma_start3A_148] : memref<204800x128xf32, #tpu.memory_space<hbm>> -> memref<128x128xf32, #tpu.memory_space<hbm>>
    %dma_start3A_150 = arith.constant 0 : i32
    %dma_start3A_151 = tpu.memref_slice %arg4[%add3A_142, %dma_start3A_150] : memref<204800x128xf32, #tpu.memory_space<hbm>> -> memref<128x128xf32, #tpu.memory_space<hbm>>
    %dma_start3A_152 = arith.constant 0 : i32
    %dma_start3A_153 = arith.constant 0 : i32
    %dma_start3A_154 = tpu.memref_slice %arg6[%dma_start3A_143, %dma_start3A_152, %dma_start3A_153] : memref<6x128x128xf32, #tpu.memory_space<vmem>> -> memref<1x128x128xf32, #tpu.memory_space<vmem>>
    %dma_start3A_155 = tpu.memref_squeeze %dma_start3A_154 : memref<1x128x128xf32, #tpu.memory_space<vmem>> -> memref<128x128xf32, #tpu.memory_space<vmem>>
    tpu.enqueue_dma source(%dma_start3A_155 : memref<128x128xf32, #tpu.memory_space<vmem>>) target(%dma_start3A_151 : memref<128x128xf32, #tpu.memory_space<hbm>>) target_semaphore(%arg8 : memref<!tpu.dma_semaphore, #tpu.memory_space<semaphore_mem>>)
    %dma_wait3A_156 = arith.constant 0 : i32
    %dma_wait3A_157 = arith.constant 0 : i32
    %dma_wait3A_158 = arith.constant 0 : i32
    %dma_wait3A_159 = arith.constant 0 : i32
    %dma_wait3A_160 = tpu.memref_slice %arg6[%dma_wait3A_157, %dma_wait3A_158, %dma_wait3A_159] : memref<6x128x128xf32, #tpu.memory_space<vmem>> -> memref<1x128x128xf32, #tpu.memory_space<vmem>>
    %dma_wait3A_161 = tpu.memref_squeeze %dma_wait3A_160 : memref<1x128x128xf32, #tpu.memory_space<vmem>> -> memref<128x128xf32, #tpu.memory_space<vmem>>
    %dma_wait3A_162 = arith.constant 0 : i32
    %dma_wait3A_163 = arith.constant 0 : i32
    %dma_wait3A_164 = tpu.memref_slice %dma_wait3A_161[%dma_wait3A_162, %dma_wait3A_163] : memref<128x128xf32, #tpu.memory_space<vmem>> -> memref<128x128xf32, #tpu.memory_space<vmem>>
    %dma_wait3A_165 = arith.constant 0 : i32
    %dma_wait3A_166 = tpu.memref_slice %arg5[%dma_wait3A_156, %dma_wait3A_165] : memref<50x128xi32, #tpu.memory_space<vmem>> -> memref<1x128xi32, #tpu.memory_space<vmem>>
    %dma_wait3A_167 = tpu.memref_squeeze %dma_wait3A_166 : memref<1x128xi32, #tpu.memory_space<vmem>> -> memref<128xi32, #tpu.memory_space<vmem>>
    %dma_wait3A_168 = arith.constant 0 : i32
    %dma_wait3A_169 = arith.constant 0 : i32
    %dma_wait3A_170 = tpu.memref_slice %arg3[%dma_wait3A_168, %dma_wait3A_169] : memref<100001x128xf32, #tpu.memory_space<hbm>> -> memref<100001x128xf32, #tpu.memory_space<hbm>>
    tpu.wait_indirect_dma semaphore(%arg7 : memref<!tpu.dma_semaphore, #tpu.memory_space<semaphore_mem>>) src(%dma_wait3A_170 : memref<100001x128xf32, #tpu.memory_space<hbm>>) dst(%dma_wait3A_164 : memref<128x128xf32, #tpu.memory_space<vmem>>)
    %add3A_171 = arith.constant 5888 : i32
    %add3A_172 = arith.addi %mul3A_2, %add3A_171 : i32
    %dma_start3A_173 = arith.constant 4 : i32
    %dma_start3A_174 = arith.constant 0 : i32
    %dma_start3A_175 = arith.constant 0 : i32
    %dma_start3A_176 = tpu.memref_slice %arg6[%dma_start3A_173, %dma_start3A_174, %dma_start3A_175] : memref<6x128x128xf32, #tpu.memory_space<vmem>> -> memref<1x128x128xf32, #tpu.memory_space<vmem>>
    %dma_start3A_177 = tpu.memref_squeeze %dma_start3A_176 : memref<1x128x128xf32, #tpu.memory_space<vmem>> -> memref<128x128xf32, #tpu.memory_space<vmem>>
    %dma_start3A_178 = arith.constant 0 : i32
    %dma_start3A_179 = tpu.memref_slice %arg4[%add3A_172, %dma_start3A_178] : memref<204800x128xf32, #tpu.memory_space<hbm>> -> memref<128x128xf32, #tpu.memory_space<hbm>>
    %dma_start3A_180 = arith.constant 0 : i32
    %dma_start3A_181 = tpu.memref_slice %arg4[%add3A_172, %dma_start3A_180] : memref<204800x128xf32, #tpu.memory_space<hbm>> -> memref<128x128xf32, #tpu.memory_space<hbm>>
    %dma_start3A_182 = arith.constant 0 : i32
    %dma_start3A_183 = arith.constant 0 : i32
    %dma_start3A_184 = tpu.memref_slice %arg6[%dma_start3A_173, %dma_start3A_182, %dma_start3A_183] : memref<6x128x128xf32, #tpu.memory_space<vmem>> -> memref<1x128x128xf32, #tpu.memory_space<vmem>>
    %dma_start3A_185 = tpu.memref_squeeze %dma_start3A_184 : memref<1x128x128xf32, #tpu.memory_space<vmem>> -> memref<128x128xf32, #tpu.memory_space<vmem>>
    tpu.enqueue_dma source(%dma_start3A_185 : memref<128x128xf32, #tpu.memory_space<vmem>>) target(%dma_start3A_181 : memref<128x128xf32, #tpu.memory_space<hbm>>) target_semaphore(%arg8 : memref<!tpu.dma_semaphore, #tpu.memory_space<semaphore_mem>>)
    %dma_wait3A_186 = arith.constant 0 : i32
    %dma_wait3A_187 = arith.constant 0 : i32
    %dma_wait3A_188 = arith.constant 0 : i32
    %dma_wait3A_189 = arith.constant 0 : i32
    %dma_wait3A_190 = tpu.memref_slice %arg6[%dma_wait3A_187, %dma_wait3A_188, %dma_wait3A_189] : memref<6x128x128xf32, #tpu.memory_space<vmem>> -> memref<1x128x128xf32, #tpu.memory_space<vmem>>
    %dma_wait3A_191 = tpu.memref_squeeze %dma_wait3A_190 : memref<1x128x128xf32, #tpu.memory_space<vmem>> -> memref<128x128xf32, #tpu.memory_space<vmem>>
    %dma_wait3A_192 = arith.constant 0 : i32
    %dma_wait3A_193 = arith.constant 0 : i32
    %dma_wait3A_194 = tpu.memref_slice %dma_wait3A_191[%dma_wait3A_192, %dma_wait3A_193] : memref<128x128xf32, #tpu.memory_space<vmem>> -> memref<128x128xf32, #tpu.memory_space<vmem>>
    %dma_wait3A_195 = arith.constant 0 : i32
    %dma_wait3A_196 = tpu.memref_slice %arg5[%dma_wait3A_186, %dma_wait3A_195] : memref<50x128xi32, #tpu.memory_space<vmem>> -> memref<1x128xi32, #tpu.memory_space<vmem>>
    %dma_wait3A_197 = tpu.memref_squeeze %dma_wait3A_196 : memref<1x128xi32, #tpu.memory_space<vmem>> -> memref<128xi32, #tpu.memory_space<vmem>>
    %dma_wait3A_198 = arith.constant 0 : i32
    %dma_wait3A_199 = arith.constant 0 : i32
    %dma_wait3A_200 = tpu.memref_slice %arg3[%dma_wait3A_198, %dma_wait3A_199] : memref<100001x128xf32, #tpu.memory_space<hbm>> -> memref<100001x128xf32, #tpu.memory_space<hbm>>
    tpu.wait_indirect_dma semaphore(%arg7 : memref<!tpu.dma_semaphore, #tpu.memory_space<semaphore_mem>>) src(%dma_wait3A_200 : memref<100001x128xf32, #tpu.memory_space<hbm>>) dst(%dma_wait3A_194 : memref<128x128xf32, #tpu.memory_space<vmem>>)
    %add3A_201 = arith.constant 6016 : i32
    %add3A_202 = arith.addi %mul3A_2, %add3A_201 : i32
    %dma_start3A_203 = arith.constant 5 : i32
    %dma_start3A_204 = arith.constant 0 : i32
    %dma_start3A_205 = arith.constant 0 : i32
    %dma_start3A_206 = tpu.memref_slice %arg6[%dma_start3A_203, %dma_start3A_204, %dma_start3A_205] : memref<6x128x128xf32, #tpu.memory_space<vmem>> -> memref<1x128x128xf32, #tpu.memory_space<vmem>>
    %dma_start3A_207 = tpu.memref_squeeze %dma_start3A_206 : memref<1x128x128xf32, #tpu.memory_space<vmem>> -> memref<128x128xf32, #tpu.memory_space<vmem>>
    %dma_start3A_208 = arith.constant 0 : i32
    %dma_start3A_209 = tpu.memref_slice %arg4[%add3A_202, %dma_start3A_208] : memref<204800x128xf32, #tpu.memory_space<hbm>> -> memref<128x128xf32, #tpu.memory_space<hbm>>
    %dma_start3A_210 = arith.constant 0 : i32
    %dma_start3A_211 = tpu.memref_slice %arg4[%add3A_202, %dma_start3A_210] : memref<204800x128xf32, #tpu.memory_space<hbm>> -> memref<128x128xf32, #tpu.memory_space<hbm>>
    %dma_start3A_212 = arith.constant 0 : i32
    %dma_start3A_213 = arith.constant 0 : i32
    %dma_start3A_214 = tpu.memref_slice %arg6[%dma_start3A_203, %dma_start3A_212, %dma_start3A_213] : memref<6x128x128xf32, #tpu.memory_space<vmem>> -> memref<1x128x128xf32, #tpu.memory_space<vmem>>
    %dma_start3A_215 = tpu.memref_squeeze %dma_start3A_214 : memref<1x128x128xf32, #tpu.memory_space<vmem>> -> memref<128x128xf32, #tpu.memory_space<vmem>>
    tpu.enqueue_dma source(%dma_start3A_215 : memref<128x128xf32, #tpu.memory_space<vmem>>) target(%dma_start3A_211 : memref<128x128xf32, #tpu.memory_space<hbm>>) target_semaphore(%arg8 : memref<!tpu.dma_semaphore, #tpu.memory_space<semaphore_mem>>)
    %dma_wait3A_216 = arith.constant 0 : i32
    %dma_wait3A_217 = arith.constant 0 : i32
    %dma_wait3A_218 = arith.constant 0 : i32
    %dma_wait3A_219 = arith.constant 0 : i32
    %dma_wait3A_220 = tpu.memref_slice %arg6[%dma_wait3A_217, %dma_wait3A_218, %dma_wait3A_219] : memref<6x128x128xf32, #tpu.memory_space<vmem>> -> memref<1x128x128xf32, #tpu.memory_space<vmem>>
    %dma_wait3A_221 = tpu.memref_squeeze %dma_wait3A_220 : memref<1x128x128xf32, #tpu.memory_space<vmem>> -> memref<128x128xf32, #tpu.memory_space<vmem>>
    %dma_wait3A_222 = arith.constant 0 : i32
    %dma_wait3A_223 = arith.constant 0 : i32
    %dma_wait3A_224 = tpu.memref_slice %dma_wait3A_221[%dma_wait3A_222, %dma_wait3A_223] : memref<128x128xf32, #tpu.memory_space<vmem>> -> memref<128x128xf32, #tpu.memory_space<vmem>>
    %dma_wait3A_225 = arith.constant 0 : i32
    %dma_wait3A_226 = tpu.memref_slice %arg5[%dma_wait3A_216, %dma_wait3A_225] : memref<50x128xi32, #tpu.memory_space<vmem>> -> memref<1x128xi32, #tpu.memory_space<vmem>>
    %dma_wait3A_227 = tpu.memref_squeeze %dma_wait3A_226 : memref<1x128xi32, #tpu.memory_space<vmem>> -> memref<128xi32, #tpu.memory_space<vmem>>
    %dma_wait3A_228 = arith.constant 0 : i32
    %dma_wait3A_229 = arith.constant 0 : i32
    %dma_wait3A_230 = tpu.memref_slice %arg3[%dma_wait3A_228, %dma_wait3A_229] : memref<100001x128xf32, #tpu.memory_space<hbm>> -> memref<100001x128xf32, #tpu.memory_space<hbm>>
    tpu.wait_indirect_dma semaphore(%arg7 : memref<!tpu.dma_semaphore, #tpu.memory_space<semaphore_mem>>) src(%dma_wait3A_230 : memref<100001x128xf32, #tpu.memory_space<hbm>>) dst(%dma_wait3A_224 : memref<128x128xf32, #tpu.memory_space<vmem>>)
    %add3A_231 = arith.constant 6144 : i32
    %add3A_232 = arith.addi %mul3A_2, %add3A_231 : i32
    %dma_start3A_233 = arith.constant 0 : i32
    %dma_start3A_234 = arith.constant 0 : i32
    %dma_start3A_235 = arith.constant 0 : i32
    %dma_start3A_236 = tpu.memref_slice %arg6[%dma_start3A_233, %dma_start3A_234, %dma_start3A_235] : memref<6x128x128xf32, #tpu.memory_space<vmem>> -> memref<1x128x128xf32, #tpu.memory_space<vmem>>
    %dma_start3A_237 = tpu.memref_squeeze %dma_start3A_236 : memref<1x128x128xf32, #tpu.memory_space<vmem>> -> memref<128x128xf32, #tpu.memory_space<vmem>>
    %dma_start3A_238 = arith.constant 0 : i32
    %dma_start3A_239 = tpu.memref_slice %arg4[%add3A_232, %dma_start3A_238] : memref<204800x128xf32, #tpu.memory_space<hbm>> -> memref<128x128xf32, #tpu.memory_space<hbm>>
    %dma_start3A_240 = arith.constant 0 : i32
    %dma_start3A_241 = tpu.memref_slice %arg4[%add3A_232, %dma_start3A_240] : memref<204800x128xf32, #tpu.memory_space<hbm>> -> memref<128x128xf32, #tpu.memory_space<hbm>>
    %dma_start3A_242 = arith.constant 0 : i32
    %dma_start3A_243 = arith.constant 0 : i32
    %dma_start3A_244 = tpu.memref_slice %arg6[%dma_start3A_233, %dma_start3A_242, %dma_start3A_243] : memref<6x128x128xf32, #tpu.memory_space<vmem>> -> memref<1x128x128xf32, #tpu.memory_space<vmem>>
    %dma_start3A_245 = tpu.memref_squeeze %dma_start3A_244 : memref<1x128x128xf32, #tpu.memory_space<vmem>> -> memref<128x128xf32, #tpu.memory_space<vmem>>
    tpu.enqueue_dma source(%dma_start3A_245 : memref<128x128xf32, #tpu.memory_space<vmem>>) target(%dma_start3A_241 : memref<128x128xf32, #tpu.memory_space<hbm>>) target_semaphore(%arg8 : memref<!tpu.dma_semaphore, #tpu.memory_space<semaphore_mem>>)
    %dma_wait3A_246 = arith.constant 0 : i32
    %dma_wait3A_247 = arith.constant 0 : i32
    %dma_wait3A_248 = arith.constant 0 : i32
    %dma_wait3A_249 = arith.constant 0 : i32
    %dma_wait3A_250 = tpu.memref_slice %arg6[%dma_wait3A_247, %dma_wait3A_248, %dma_wait3A_249] : memref<6x128x128xf32, #tpu.memory_space<vmem>> -> memref<1x128x128xf32, #tpu.memory_space<vmem>>
    %dma_wait3A_251 = tpu.memref_squeeze %dma_wait3A_250 : memref<1x128x128xf32, #tpu.memory_space<vmem>> -> memref<128x128xf32, #tpu.memory_space<vmem>>
    %dma_wait3A_252 = arith.constant 0 : i32
    %dma_wait3A_253 = arith.constant 0 : i32
    %dma_wait3A_254 = tpu.memref_slice %dma_wait3A_251[%dma_wait3A_252, %dma_wait3A_253] : memref<128x128xf32, #tpu.memory_space<vmem>> -> memref<128x128xf32, #tpu.memory_space<vmem>>
    %dma_wait3A_255 = arith.constant 0 : i32
    %dma_wait3A_256 = tpu.memref_slice %arg5[%dma_wait3A_246, %dma_wait3A_255] : memref<50x128xi32, #tpu.memory_space<vmem>> -> memref<1x128xi32, #tpu.memory_space<vmem>>
    %dma_wait3A_257 = tpu.memref_squeeze %dma_wait3A_256 : memref<1x128xi32, #tpu.memory_space<vmem>> -> memref<128xi32, #tpu.memory_space<vmem>>
    %dma_wait3A_258 = arith.constant 0 : i32
    %dma_wait3A_259 = arith.constant 0 : i32
    %dma_wait3A_260 = tpu.memref_slice %arg3[%dma_wait3A_258, %dma_wait3A_259] : memref<100001x128xf32, #tpu.memory_space<hbm>> -> memref<100001x128xf32, #tpu.memory_space<hbm>>
    tpu.wait_indirect_dma semaphore(%arg7 : memref<!tpu.dma_semaphore, #tpu.memory_space<semaphore_mem>>) src(%dma_wait3A_260 : memref<100001x128xf32, #tpu.memory_space<hbm>>) dst(%dma_wait3A_254 : memref<128x128xf32, #tpu.memory_space<vmem>>)
    %add3A_261 = arith.constant 6272 : i32
    %add3A_262 = arith.addi %mul3A_2, %add3A_261 : i32
    %dma_start3A_263 = arith.constant 1 : i32
    %dma_start3A_264 = arith.constant 0 : i32
    %dma_start3A_265 = arith.constant 0 : i32
    %dma_start3A_266 = tpu.memref_slice %arg6[%dma_start3A_263, %dma_start3A_264, %dma_start3A_265] : memref<6x128x128xf32, #tpu.memory_space<vmem>> -> memref<1x128x128xf32, #tpu.memory_space<vmem>>
    %dma_start3A_267 = tpu.memref_squeeze %dma_start3A_266 : memref<1x128x128xf32, #tpu.memory_space<vmem>> -> memref<128x128xf32, #tpu.memory_space<vmem>>
    %dma_start3A_268 = arith.constant 0 : i32
    %dma_start3A_269 = tpu.memref_slice %arg4[%add3A_262, %dma_start3A_268] : memref<204800x128xf32, #tpu.memory_space<hbm>> -> memref<128x128xf32, #tpu.memory_space<hbm>>
    %dma_start3A_270 = arith.constant 0 : i32
    %dma_start3A_271 = tpu.memref_slice %arg4[%add3A_262, %dma_start3A_270] : memref<204800x128xf32, #tpu.memory_space<hbm>> -> memref<128x128xf32, #tpu.memory_space<hbm>>
    %dma_start3A_272 = arith.constant 0 : i32
    %dma_start3A_273 = arith.constant 0 : i32
    %dma_start3A_274 = tpu.memref_slice %arg6[%dma_start3A_263, %dma_start3A_272, %dma_start3A_273] : memref<6x128x128xf32, #tpu.memory_space<vmem>> -> memref<1x128x128xf32, #tpu.memory_space<vmem>>
    %dma_start3A_275 = tpu.memref_squeeze %dma_start3A_274 : memref<1x128x128xf32, #tpu.memory_space<vmem>> -> memref<128x128xf32, #tpu.memory_space<vmem>>
    tpu.enqueue_dma source(%dma_start3A_275 : memref<128x128xf32, #tpu.memory_space<vmem>>) target(%dma_start3A_271 : memref<128x128xf32, #tpu.memory_space<hbm>>) target_semaphore(%arg8 : memref<!tpu.dma_semaphore, #tpu.memory_space<semaphore_mem>>)
    %dma_wait3A_276 = arith.constant 0 : i32
    %dma_wait3A_277 = arith.constant 0 : i32
    %dma_wait3A_278 = arith.constant 0 : i32
    %dma_wait3A_279 = tpu.memref_slice %arg6[%dma_wait3A_276, %dma_wait3A_277, %dma_wait3A_278] : memref<6x128x128xf32, #tpu.memory_space<vmem>> -> memref<1x128x128xf32, #tpu.memory_space<vmem>>
    %dma_wait3A_280 = tpu.memref_squeeze %dma_wait3A_279 : memref<1x128x128xf32, #tpu.memory_space<vmem>> -> memref<128x128xf32, #tpu.memory_space<vmem>>
    %dma_wait3A_281 = arith.constant 0 : i32
    %dma_wait3A_282 = tpu.memref_slice %arg4[%mul3A_2, %dma_wait3A_281] : memref<204800x128xf32, #tpu.memory_space<hbm>> -> memref<128x128xf32, #tpu.memory_space<hbm>>
    %dma_wait3A_283 = arith.constant 0 : i32
    %dma_wait3A_284 = tpu.memref_slice %arg4[%mul3A_2, %dma_wait3A_283] : memref<204800x128xf32, #tpu.memory_space<hbm>> -> memref<128x128xf32, #tpu.memory_space<hbm>>
    %dma_wait3A_285 = arith.constant 0 : i32
    %dma_wait3A_286 = arith.constant 0 : i32
    %dma_wait3A_287 = tpu.memref_slice %arg6[%dma_wait3A_276, %dma_wait3A_285, %dma_wait3A_286] : memref<6x128x128xf32, #tpu.memory_space<vmem>> -> memref<1x128x128xf32, #tpu.memory_space<vmem>>
    %dma_wait3A_288 = tpu.memref_squeeze %dma_wait3A_287 : memref<1x128x128xf32, #tpu.memory_space<vmem>> -> memref<128x128xf32, #tpu.memory_space<vmem>>
    tpu.wait_dma2 semaphore(%arg8 : memref<!tpu.dma_semaphore, #tpu.memory_space<semaphore_mem>>) src(%dma_wait3A_288 : memref<128x128xf32, #tpu.memory_space<vmem>>) dst(%dma_wait3A_284 : memref<128x128xf32, #tpu.memory_space<hbm>>)
    %dma_wait3A_289 = arith.constant 0 : i32
    %dma_wait3A_290 = arith.constant 0 : i32
    %dma_wait3A_291 = arith.constant 0 : i32
    %dma_wait3A_292 = tpu.memref_slice %arg6[%dma_wait3A_289, %dma_wait3A_290, %dma_wait3A_291] : memref<6x128x128xf32, #tpu.memory_space<vmem>> -> memref<1x128x128xf32, #tpu.memory_space<vmem>>
    %dma_wait3A_293 = tpu.memref_squeeze %dma_wait3A_292 : memref<1x128x128xf32, #tpu.memory_space<vmem>> -> memref<128x128xf32, #tpu.memory_space<vmem>>
    %dma_wait3A_294 = arith.constant 0 : i32
    %dma_wait3A_295 = tpu.memref_slice %arg4[%mul3A_2, %dma_wait3A_294] : memref<204800x128xf32, #tpu.memory_space<hbm>> -> memref<128x128xf32, #tpu.memory_space<hbm>>
    %dma_wait3A_296 = arith.constant 0 : i32
    %dma_wait3A_297 = tpu.memref_slice %arg4[%mul3A_2, %dma_wait3A_296] : memref<204800x128xf32, #tpu.memory_space<hbm>> -> memref<128x128xf32, #tpu.memory_space<hbm>>
    %dma_wait3A_298 = arith.constant 0 : i32
    %dma_wait3A_299 = arith.constant 0 : i32
    %dma_wait3A_300 = tpu.memref_slice %arg6[%dma_wait3A_289, %dma_wait3A_298, %dma_wait3A_299] : memref<6x128x128xf32, #tpu.memory_space<vmem>> -> memref<1x128x128xf32, #tpu.memory_space<vmem>>
    %dma_wait3A_301 = tpu.memref_squeeze %dma_wait3A_300 : memref<1x128x128xf32, #tpu.memory_space<vmem>> -> memref<128x128xf32, #tpu.memory_space<vmem>>
    tpu.wait_dma2 semaphore(%arg8 : memref<!tpu.dma_semaphore, #tpu.memory_space<semaphore_mem>>) src(%dma_wait3A_301 : memref<128x128xf32, #tpu.memory_space<vmem>>) dst(%dma_wait3A_297 : memref<128x128xf32, #tpu.memory_space<hbm>>)
    %dma_wait3A_302 = arith.constant 0 : i32
    %dma_wait3A_303 = arith.constant 0 : i32
    %dma_wait3A_304 = arith.constant 0 : i32
    %dma_wait3A_305 = tpu.memref_slice %arg6[%dma_wait3A_302, %dma_wait3A_303, %dma_wait3A_304] : memref<6x128x128xf32, #tpu.memory_space<vmem>> -> memref<1x128x128xf32, #tpu.memory_space<vmem>>
    %dma_wait3A_306 = tpu.memref_squeeze %dma_wait3A_305 : memref<1x128x128xf32, #tpu.memory_space<vmem>> -> memref<128x128xf32, #tpu.memory_space<vmem>>
    %dma_wait3A_307 = arith.constant 0 : i32
    %dma_wait3A_308 = tpu.memref_slice %arg4[%mul3A_2, %dma_wait3A_307] : memref<204800x128xf32, #tpu.memory_space<hbm>> -> memref<128x128xf32, #tpu.memory_space<hbm>>
    %dma_wait3A_309 = arith.constant 0 : i32
    %dma_wait3A_310 = tpu.memref_slice %arg4[%mul3A_2, %dma_wait3A_309] : memref<204800x128xf32, #tpu.memory_space<hbm>> -> memref<128x128xf32, #tpu.memory_space<hbm>>
    %dma_wait3A_311 = arith.constant 0 : i32
    %dma_wait3A_312 = arith.constant 0 : i32
    %dma_wait3A_313 = tpu.memref_slice %arg6[%dma_wait3A_302, %dma_wait3A_311, %dma_wait3A_312] : memref<6x128x128xf32, #tpu.memory_space<vmem>> -> memref<1x128x128xf32, #tpu.memory_space<vmem>>
    %dma_wait3A_314 = tpu.memref_squeeze %dma_wait3A_313 : memref<1x128x128xf32, #tpu.memory_space<vmem>> -> memref<128x128xf32, #tpu.memory_space<vmem>>
    tpu.wait_dma2 semaphore(%arg8 : memref<!tpu.dma_semaphore, #tpu.memory_space<semaphore_mem>>) src(%dma_wait3A_314 : memref<128x128xf32, #tpu.memory_space<vmem>>) dst(%dma_wait3A_310 : memref<128x128xf32, #tpu.memory_space<hbm>>)
    %dma_wait3A_315 = arith.constant 0 : i32
    %dma_wait3A_316 = arith.constant 0 : i32
    %dma_wait3A_317 = arith.constant 0 : i32
    %dma_wait3A_318 = tpu.memref_slice %arg6[%dma_wait3A_315, %dma_wait3A_316, %dma_wait3A_317] : memref<6x128x128xf32, #tpu.memory_space<vmem>> -> memref<1x128x128xf32, #tpu.memory_space<vmem>>
    %dma_wait3A_319 = tpu.memref_squeeze %dma_wait3A_318 : memref<1x128x128xf32, #tpu.memory_space<vmem>> -> memref<128x128xf32, #tpu.memory_space<vmem>>
    %dma_wait3A_320 = arith.constant 0 : i32
    %dma_wait3A_321 = tpu.memref_slice %arg4[%mul3A_2, %dma_wait3A_320] : memref<204800x128xf32, #tpu.memory_space<hbm>> -> memref<128x128xf32, #tpu.memory_space<hbm>>
    %dma_wait3A_322 = arith.constant 0 : i32
    %dma_wait3A_323 = tpu.memref_slice %arg4[%mul3A_2, %dma_wait3A_322] : memref<204800x128xf32, #tpu.memory_space<hbm>> -> memref<128x128xf32, #tpu.memory_space<hbm>>
    %dma_wait3A_324 = arith.constant 0 : i32
    %dma_wait3A_325 = arith.constant 0 : i32
    %dma_wait3A_326 = tpu.memref_slice %arg6[%dma_wait3A_315, %dma_wait3A_324, %dma_wait3A_325] : memref<6x128x128xf32, #tpu.memory_space<vmem>> -> memref<1x128x128xf32, #tpu.memory_space<vmem>>
    %dma_wait3A_327 = tpu.memref_squeeze %dma_wait3A_326 : memref<1x128x128xf32, #tpu.memory_space<vmem>> -> memref<128x128xf32, #tpu.memory_space<vmem>>
    tpu.wait_dma2 semaphore(%arg8 : memref<!tpu.dma_semaphore, #tpu.memory_space<semaphore_mem>>) src(%dma_wait3A_327 : memref<128x128xf32, #tpu.memory_space<vmem>>) dst(%dma_wait3A_323 : memref<128x128xf32, #tpu.memory_space<hbm>>)
    %dma_wait3A_328 = arith.constant 0 : i32
    %dma_wait3A_329 = arith.constant 0 : i32
    %dma_wait3A_330 = arith.constant 0 : i32
    %dma_wait3A_331 = tpu.memref_slice %arg6[%dma_wait3A_328, %dma_wait3A_329, %dma_wait3A_330] : memref<6x128x128xf32, #tpu.memory_space<vmem>> -> memref<1x128x128xf32, #tpu.memory_space<vmem>>
    %dma_wait3A_332 = tpu.memref_squeeze %dma_wait3A_331 : memref<1x128x128xf32, #tpu.memory_space<vmem>> -> memref<128x128xf32, #tpu.memory_space<vmem>>
    %dma_wait3A_333 = arith.constant 0 : i32
    %dma_wait3A_334 = tpu.memref_slice %arg4[%mul3A_2, %dma_wait3A_333] : memref<204800x128xf32, #tpu.memory_space<hbm>> -> memref<128x128xf32, #tpu.memory_space<hbm>>
    %dma_wait3A_335 = arith.constant 0 : i32
    %dma_wait3A_336 = tpu.memref_slice %arg4[%mul3A_2, %dma_wait3A_335] : memref<204800x128xf32, #tpu.memory_space<hbm>> -> memref<128x128xf32, #tpu.memory_space<hbm>>
    %dma_wait3A_337 = arith.constant 0 : i32
    %dma_wait3A_338 = arith.constant 0 : i32
    %dma_wait3A_339 = tpu.memref_slice %arg6[%dma_wait3A_328, %dma_wait3A_337, %dma_wait3A_338] : memref<6x128x128xf32, #tpu.memory_space<vmem>> -> memref<1x128x128xf32, #tpu.memory_space<vmem>>
    %dma_wait3A_340 = tpu.memref_squeeze %dma_wait3A_339 : memref<1x128x128xf32, #tpu.memory_space<vmem>> -> memref<128x128xf32, #tpu.memory_space<vmem>>
    tpu.wait_dma2 semaphore(%arg8 : memref<!tpu.dma_semaphore, #tpu.memory_space<semaphore_mem>>) src(%dma_wait3A_340 : memref<128x128xf32, #tpu.memory_space<vmem>>) dst(%dma_wait3A_336 : memref<128x128xf32, #tpu.memory_space<hbm>>)
    %dma_wait3A_341 = arith.constant 0 : i32
    %dma_wait3A_342 = arith.constant 0 : i32
    %dma_wait3A_343 = arith.constant 0 : i32
    %dma_wait3A_344 = tpu.memref_slice %arg6[%dma_wait3A_341, %dma_wait3A_342, %dma_wait3A_343] : memref<6x128x128xf32, #tpu.memory_space<vmem>> -> memref<1x128x128xf32, #tpu.memory_space<vmem>>
    %dma_wait3A_345 = tpu.memref_squeeze %dma_wait3A_344 : memref<1x128x128xf32, #tpu.memory_space<vmem>> -> memref<128x128xf32, #tpu.memory_space<vmem>>
    %dma_wait3A_346 = arith.constant 0 : i32
    %dma_wait3A_347 = tpu.memref_slice %arg4[%mul3A_2, %dma_wait3A_346] : memref<204800x128xf32, #tpu.memory_space<hbm>> -> memref<128x128xf32, #tpu.memory_space<hbm>>
    %dma_wait3A_348 = arith.constant 0 : i32
    %dma_wait3A_349 = tpu.memref_slice %arg4[%mul3A_2, %dma_wait3A_348] : memref<204800x128xf32, #tpu.memory_space<hbm>> -> memref<128x128xf32, #tpu.memory_space<hbm>>
    %dma_wait3A_350 = arith.constant 0 : i32
    %dma_wait3A_351 = arith.constant 0 : i32
    %dma_wait3A_352 = tpu.memref_slice %arg6[%dma_wait3A_341, %dma_wait3A_350, %dma_wait3A_351] : memref<6x128x128xf32, #tpu.memory_space<vmem>> -> memref<1x128x128xf32, #tpu.memory_space<vmem>>
    %dma_wait3A_353 = tpu.memref_squeeze %dma_wait3A_352 : memref<1x128x128xf32, #tpu.memory_space<vmem>> -> memref<128x128xf32, #tpu.memory_space<vmem>>
    tpu.wait_dma2 semaphore(%arg8 : memref<!tpu.dma_semaphore, #tpu.memory_space<semaphore_mem>>) src(%dma_wait3A_353 : memref<128x128xf32, #tpu.memory_space<vmem>>) dst(%dma_wait3A_349 : memref<128x128xf32, #tpu.memory_space<hbm>>)
    return
  }
}

</mosaic_0001>

<sc_bundles>
// kernel: kernel.3.cloned.1.call-start
scs
__scs_entry_jumppad:
0x0: {  	(pc) =	sbr.rel $0x88, $3  }
0x1: {  	(tag) =	ssettag $0x0;
	lr =	simm.s32 $0x1  }
0x2: {  	[smem:$0x3F9F] =	sst lr;
	_ =	strace $0xD0000000  }
0x3: {  	_ = 	snop  }
0x4: {  	_ = 	snop  }
0x5: {  	_ = 	snop  }
0x6: {  	_ = 	snop  }
0x7: {  	_ = 	snop  }
__scs_overlays_trampoline_lowered:
0x8: {  	[smem:$0x3FAE] =	sst s0  }
0x9: {  	[smem:$0x3FAF] =	sst s1  }
0xa: {  	[smem:$0x3FB0] =	sst s2  }
0xb: {  	[smem:$0x3FB1] =	sst s3  }
0xc: {  	[smem:$0x3FB2] =	sst s4  }
0xd: {  	[smem:$0x3FB3] =	sst s5  }
0xe: {  	[smem:$0x3FB4] =	sst s6  }
0xf: {  	[smem:$0x3FB5] =	sst s7  }
0x10: {  	[smem:$0x3FB6] =	sst s8  }
0x11: {  	[smem:$0x3FB7] =	sst s9;
	s0 =	simm.s32 @!p0 $0x0  }
0x12: {  	s1 =	sld [smem:$0x3F9D];
	s0 =	simm.s32 @p0 $0x1  }
0x13: {  	[smem:$0x3FB8] =	sst s0;
	s0 =	simm.s32 @!p1 $0x0  }
0x14: {  	s2 =	sld [smem:$0x3F9C];
	s0 =	simm.s32 @p1 $0x1  }
0x15: {  	[smem:$0x3FB9] =	sst s0;
	s0 =	simm.s32 @!p2 $0x0  }
0x16: {  	s3 =	sld [smem:$0x3FDB];
	s0 =	simm.s32 @p2 $0x1  }
0x17: {  	s4 =	simm.s32 $0x1BF5;
	[smem:$0x3FBB] =	sst s0  }
0x18: {  	s0 =	sld [smem:$0x3F9E];
	_ =	swait.ge [sflag:s4], $0x0  }
0x19: {  	s7 =	sld [smem:$0x3F9F]  }
0x1a: {  	s8 =	sadd.s32 $0xFFFFE003, lr  }
0x1b: {  	s9 =	sadd.s32 $0xFFFFFEF7, lr;
	s5 =	simm.s32 $0xFFFFFFFF;
	p2 =	slt.u32 s8, $0xFFFFF086  }
0x1c: {  	p1 =	slt.u32 s9, $0xF7A;
	s5 =	simm.s32 @!p2 $0x0  }
0x1d: {  	s5 =	simm.s32 @p1 $0x1;
	p0 =	seq.s32 s7, s2  }
0x1e: {  	s7 =	smul.u32 @!p0 $0xF7A, s2;
	p2 =	seq.s32 @!p0 s5, $0x0  }
0x1f: {  	s9 =	smul.u32 $0xF7A, s1;
	s8 =	simm.s32 @!p0 $0x1BF5;
	p2 =	por !p2, p0  }
0x20: {  	[sflag:s8] =	ssyncset.s32 @!p0 $0xFFFFF086;
	s6 =	sadd.s32 @!p0 s3, s7;
	s7 =	simm.s32 @!p0 $0x108  }
0x21: {  	s3 =	sadd.s32 s3, s9;
	s6 =	sadd.s32 @!p0 $0x88, s6;
	s7 =	simm.s32 @p2 $0x1082  }
0x22: {  	[simem:s7], [sflag:s8] =	dma.local @!p0 [hbm:s6], $0xF7A  }
0x23: {  	s9 =	sor.u32 $0xD0000000, s2;
	s6 =	simm.s32 $0x108;
	_ =	swait.ge @!p0 [sflag:s8], $0x0  }
0x24: {  	s3 =	sadd.s32 $0x88, s3;
	s6 =	simm.s32 @!p1 $0x1082;
	[sflag:s4] =	ssyncset.s32 $0xFFFFF086  }
0x25: {  	[simem:s6], [sflag:s4] =	dma.local [hbm:s3], $0xF7A  }
0x26: {  	[smem:$0x3F9F] =	sst s1;
	(tag) =	ssettag s2;
	_ =	strace s9  }
0x27: {  	s1 =	sld [smem:$0x3FAF]  }
0x28: {  	s2 =	sld [smem:$0x3FB0]  }
0x29: {  	s4 =	sld [smem:$0x3FB2]  }
0x2a: {  	p0 =	seq.s32 s5, $0x0;
	s5 =	sld [smem:$0x3FB3]  }
0x2b: {  	s6 =	sld [smem:$0x3FB4]  }
0x2c: {  	s7 =	sld [smem:$0x3FB5]  }
0x2d: {  	s3 =	simm.s32 $0x108;
	s8 =	sld [smem:$0x3FB6]  }
0x2e: {  	s3 =	simm.s32 @!p0 $0x1082;
	s9 =	sld [smem:$0x3FB7]  }
0x2f: {  	lr =	sadd.s32 s0, s3;
	s0 =	sld [smem:$0x3FAE]  }
0x30: {  	s3 =	sld [smem:$0x3FB1]  }
0x31: {  	[smem:$0x3FBA] =	sst s10  }
0x32: {  	s10 =	sld [smem:$0x3FB8];
	_ =	sdelay $0x3  }
0x33: {  	p0 =	seq.s32 s10, $0x1;
	s10 =	sld [smem:$0x3FBA];
	_ =	sdelay $0x3  }
0x34: {  	[smem:$0x3FBA] =	sst s10  }
0x35: {  	s10 =	sld [smem:$0x3FB9];
	_ =	sdelay $0x3  }
0x36: {  	p1 =	seq.s32 s10, $0x1;
	s10 =	sld [smem:$0x3FBA];
	_ =	sdelay $0x3  }
0x37: {  	[smem:$0x3FBA] =	sst s10  }
0x38: {  	s10 =	sld [smem:$0x3FBB]  }
0x39: {  	_ = 	snop;
	(pc) =	sbr.ind lr, $3  }
0x3a: {  	_ = 	snop  }
0x3b: {  	_ = 	snop  }
0x3c: {  	p2 =	seq.s32 s10, $0x1;
	s10 =	sld [smem:$0x3FBA]  }
0x3d: {  	_ =	shalt  }
0x3e: {  	_ =	shalt  }
0x3f: {  	_ =	shalt  }
0x40: {  	_ =	shalt  }
0x41: {  	_ =	shalt  }
0x42: {  	_ =	shalt  }
0x43: {  	_ =	shalt  }
0x44: {  	_ =	shalt  }
0x45: {  	_ =	shalt  }
0x46: {  	_ =	shalt  }
0x47: {  	_ =	shalt  }
0x48: {  	_ =	shalt  }
0x49: {  	_ =	shalt  }
0x4a: {  	_ =	shalt  }
0x4b: {  	_ =	shalt  }
0x4c: {  	_ =	shalt  }
0x4d: {  	_ =	shalt  }
0x4e: {  	_ =	shalt  }
0x4f: {  	_ =	shalt  }
0x50: {  	_ =	shalt  }
0x51: {  	_ =	shalt  }
0x52: {  	_ =	shalt  }
0x53: {  	_ =	shalt  }
0x54: {  	_ =	shalt  }
0x55: {  	_ =	shalt  }
0x56: {  	_ =	shalt  }
0x57: {  	_ =	shalt  }
0x58: {  	_ =	shalt  }
0x59: {  	_ =	shalt  }
0x5a: {  	_ =	shalt  }
0x5b: {  	_ =	shalt  }
0x5c: {  	_ =	shalt  }
0x5d: {  	_ =	shalt  }
0x5e: {  	_ =	shalt  }
0x5f: {  	_ =	shalt  }
0x60: {  	_ =	shalt  }
0x61: {  	_ =	shalt  }
0x62: {  	_ =	shalt  }
0x63: {  	_ =	shalt  }
0x64: {  	_ =	shalt  }
0x65: {  	_ =	shalt  }
0x66: {  	_ =	shalt  }
0x67: {  	_ =	shalt  }
0x68: {  	_ =	shalt  }
0x69: {  	_ =	shalt  }
0x6a: {  	_ =	shalt  }
0x6b: {  	_ =	shalt  }
0x6c: {  	_ =	shalt  }
0x6d: {  	_ =	shalt  }
0x6e: {  	_ =	shalt  }
0x6f: {  	_ =	shalt  }
0x70: {  	_ =	shalt  }
0x71: {  	_ =	shalt  }
0x72: {  	_ =	shalt  }
0x73: {  	_ =	shalt  }
0x74: {  	_ =	shalt  }
0x75: {  	_ =	shalt  }
0x76: {  	_ =	shalt  }
0x77: {  	_ =	shalt  }
0x78: {  	_ =	shalt  }
0x79: {  	_ =	shalt  }
0x7a: {  	_ =	shalt  }
0x7b: {  	_ =	shalt  }
0x7c: {  	_ =	shalt  }
0x7d: {  	_ =	shalt  }
0x7e: {  	_ =	shalt  }
0x7f: {  	_ =	shalt  }
0x80: {  	_ =	shalt  }
0x81: {  	_ =	shalt  }
0x82: {  	_ =	shalt  }
0x83: {  	_ =	shalt  }
0x84: {  	_ =	shalt  }
0x85: {  	_ =	shalt  }
0x86: {  	_ =	shalt  }
0x87: {  	_ =	shalt  }
.Lfunc_end0:
.L_simem_size_0:
called_computation_lowered:
.L_overlay_start_0:
0x88: {  	s2 =	sld [smem:$0x3FD9]  }
0x89: {  	s3 =	sld [smem:$0x3FFE];
	_ =	sdelay $0x1  }
0x8a: {  	s1 =	srdreg.scid  }
0x8b: {  	s0 =	sand.u32 $0x1, s1  }
0x8c: {  	s17 =	sshll.u32 s0, $0xA;
	s2 =	sadd.s32 s3, s2  }
0x8d: {  	s2 =	sadd.s32 s2, s17  }
0x8e: {  	[smem:$0x3FC6] =	sst s2  }
0x8f: {  	_ = 	snop  }
0x90: {  	s2 =	sld [smem:$0x3FC8]  }
0x91: {  	s18 =	sld [smem:$0x3FD0];
	(tm) =	ssettm $0x1  }
0x92: {  	s4 =	sld [smem:$0x3FFB];
	_ =	sdelay $0x3  }
0x93: {  	_ =	strace s4  }
0x94: {  	s4 =	sld [smem:$0x3FFC];
	_ =	sdelay $0x3  }
0x95: {  	_ =	strace s4  }
0x96: {  	s4 =	sld [smem:$0x3FFD];
	_ =	sdelay $0x3  }
0x97: {  	_ =	strace s4  }
0x98: {  	_ =	strace $0x8FFFFFFF  }
0x99: {  	s19 =	sld [smem:$0x3FDB];
	_ =	sdelay $0x1  }
0x9a: {  	s5 =	simm.s32 $_scs_section_size  }
0x9b: {  	s6 =	simm.s32 $_size__tile_overlayer_lowered;
	s7 =	simm.s32 $_tile_overlayer_lowered  }
0x9c: {  	s22 =	simm.s32 $0x1BFF;
	s21 =	sshll.u32 s7, $0x1;
	s4 =	sadd.s32 s5, s19  }
0x9d: {  	s8 =	simm.s32 $0x0;
	s20 =	sshll.u32 s6, $0x1;
	s6 =	sadd.s32 s21, s4  }
0x9e: {  	[timem:s8], [sflag:s22] =	dma.local [hbm:s6], s20  }
0x9f: {  	_ =	swait.ge [sflag:s22], s20  }
0xa0: {  	s5 =	ssub.s32 $0x0, s20;
	[sflag:s22] =	ssyncset.done $0x0  }
0xa1: {  	[sflag:s22] =	ssyncadd.s32 s5;
	_ =	sdelay $0x1  }
0xa2: {  	s23 =	simm.s32 $0x1B8B  }
0xa3: {  	_ =	swait.ge [sflag:s23], $0x1  }
0xa4: {  	[sflag:s23] =	ssyncset.done $0x0  }
0xa5: {  	s25 =	simm.s32 $0x1B8E;
	s24 =	sld [smem:$0x3FFE];
	[sflag:s23] =	ssyncadd.s32 $0xFFFFFFFF  }
0xa6: {  	s26 =	simm.s32 $execute0_lowered;
	[smem:$0x3FD2] =	sst s25  }
0xa7: {  	s6 =	sshll.u32 s26, $0x1;
	_ =	strace $0x80000046;
	[dreg:$0x1] =	wrdreg $0xFFFFFFFF  }
0xa8: {  	s28 =	simm.s32 $_size_execute0_lowered;
	s4 =	sadd.s32 s4, s6;
	[dreg:$0x0] =	wrdreg $0x0  }
0xa9: {  	s6 =	sshll.u32 s28, $0x1;
	[dreg:$0x2] =	wrdreg s4  }
0xaa: {  	[dreg:$0x3] =	wrdreg s6  }
0xab: {  	[dreg:$0x4] =	wrdreg $0xC0  }
0xac: {  	_ =	task [dreg:s8], $0x5FFFF  }
0xad: {  	[dreg:$0x1] =	wrdreg $0xFFFFFFFF  }
0xae: {  	[dreg:$0x0] =	wrdreg $0x60  }
0xaf: {  	[dreg:$0x2] =	wrdreg s24  }
0xb0: {  	[dreg:$0x3] =	wrdreg s2  }
0xb1: {  	[dreg:$0x4] =	wrdreg s18  }
0xb2: {  	[dreg:$0x5] =	wrdreg $0x9  }
0xb3: {  	_ =	task.clear_ibuf [dreg:s8], $0x6FFFF;
	_ =	strace $0x90000046  }
0xb4: {  	s29 =	simm.s32 $0x9;
	_ =	strace $0x80000048  }
0xb5: {  	_ =	swait.ge [sflag:s29], $0x1  }
0xb6: {  	[sflag:s29] =	ssyncadd.s32 $0xFFFFFFFF  }
0xb7: {  	_ =	strace $0x90000048  }
0xb8: {  	_ =	sfence  }
0xb9: {  	s30 =	sld [smem:$0x0];
	_ =	sdelay $0x2  }
0xba: {  	s31 =	sshll.u32 s1, $0xD;
	s1 =	sshrl.u32 s1, $0x2  }
0xbb: {  	s3 =	sand.u32 $0x4000, s31;
	s1 =	sadd.s32 s1, s30  }
0xbc: {  	s0 =	sor.u32 s3, s0;
	s1 =	sshll.u32 s1, $0x11  }
0xbd: {  	s0 =	sor.u32 s1, s0  }
0xbe: {  	s0 =	sadd.s32 $0x8F2B, s0  }
0xbf: {  	[sflag:s0] =	ssyncadd.remote.s32 $0x1  }
0xc0: {  	_ =	sfence.sel $0xFFFF  }
0xc1: {  	[dreg:$0x0] =	wrdreg $0xFFFFFFFF;
	(pc) =	sbr.abs _section_cstart, $3  }
0xc2: {  	[dreg:$0x1] =	wrdreg $0xFFFFFFFF  }
0xc3: {  	_ =	task.clear_ibuf [dreg:s8], $0x2FFFF;
	_ =	strace $0x9FFFFFFF  }
0xc4: {  	(tm) =	ssettm $0x7FFFFFFF  }
0xc5: {  	_ =	shalt  }
tec
execute0_lowered:
.L_overlay_start_1:
0x0: {  	(tag) =	ssettag $0x1  }
0x1: {  	s1 =	rddreg [dreg:$0x0]  }
0x2: {  	s0 =	srdreg.scid;
	s2 =	rddreg [dreg:$0x1]  }
0x3: {  	s8 =	stileid.u32;
	s12 =	rddreg [dreg:$0x2];
	s13 =	simm.s32 $0x3  }
0x4: {  	s14 =	simm.s32 $0x80;
	s15 =	simm.s32 $0x1C00;
	s16 =	simm.s32 $0x5C00  }
0x5: {  	s20 =	simm.s32 $0xDC00;
	s22 =	simm.s32 $0x11C00;
	s23 =	simm.s32 $0x280  }
0x6: {  	s24 =	simm.s32 $0x15C00;
	s25 =	simm.s32 $0x1;
	s26 =	simm.s32 $0x2  }
0x7: {  	s0 =	sand.u32 $0x1, s0;
	s3 =	sshll.u32 s8, $0x1;
	s8 =	smul.u32 $0x190000, s8  }
0x8: {  	s4 =	sor.u32 s0, s3;
	s29 =	ssub.s32 $0x2, s0;
	s0 =	smul.u32 $0xC8000, s0  }
0x9: {  	s28 =	simm.s32 $0x0;
	s3 =	simm.s32 $0x0;
	s5 =	smul.u32 $0x380, s4  }
0xa: {  	[smem:$0x7FF] =	sst s3;
	s7 =	smul.u32 $0xC8000, s4;
	s30 =	sshrl.u32 s29, $0x1  }
0xb: {  	s6 =	smul.u32 $0x19000, s4;
	_ =	strace $0x80000047;
	s11 =	ssub.s32 s29, s30  }
0xc: {  	s0 =	sadd.s32 s0, s8;
	s1 =	sadd.s32 s5, s1;
	s31 =	sshrl.u32 s7, $0x3  }
0xd: {  	s5 =	sadd.s32 s12, s6;
	s0 =	sor.u32 $0x4000, s0;
	s11 =	smax.u32 s11, $0x1  }
0xe: {  	s4 =	sadd.s32 $0x400, s1;
	s1 =	sadd.s32 s12, s31;
	s0 =	sshrl.u32 s0, $0x3  }
0xf: {  	s6 =	sadd.s32 $0x16800, s1;
	s7 =	sadd.s32 $0x17000, s1;
	s8 =	sadd.s32 $0x17800, s1  }
0x10: {  	s9 =	sadd.s32 $0x18000, s1;
	s10 =	sadd.s32 $0x18800, s1;
	s1 =	sadd.s32 s0, s12  }
.LBB2_1:
0x11: {  	[tilespmem:s3], [sflag:$0x3] =	stream.linear.gather [hbm4b:s4+s3], $0x1900, $0x38;
	[tilespmem:$0x19C00] =	vst v63  }
0x12: {  	_ =	swait.ge [sflag:s13], $0x1900  }
0x13: {  	[sflag:s13] =	ssyncset.done $0x0  }
0x14: {  	[sflag:s13] =	ssyncadd.s32 $0xFFFFE700  }
0x15: {  	[tilespmem:s15], [sflag:$0x1] =	stream.indirect.gather [hbm4b:s2+s14], $0x80, s3, s14, $0xb8;
	[tilespmem:$0x19C00] =	vst v63  }
0x16: {  	_ = 	snop  }
0x17: {  	[tilespmem:s16], [sflag:$0x1] =	stream.indirect.gather [hbm4b:s2+s14], $0x80, s14, s14, $0xb8;
	[tilespmem:$0x19C00] =	vst v63  }
0x18: {  	s0 =	simm.s32 $0x100;
	s12 =	simm.s32 $0x9C00;
	s18 =	simm.s32 $0x6  }
0x19: {  	[tilespmem:s12], [sflag:$0x1] =	stream.indirect.gather [hbm4b:s2+s14], $0x80, s0, s14, $0xb8;
	[tilespmem:$0x19C00] =	vst v63  }
0x1a: {  	s12 =	simm.s32 $0x180;
	s0 =	smul.u32 $0xAB, s18  }
0x1b: {  	[tilespmem:s20], [sflag:$0x1] =	stream.indirect.gather [hbm4b:s2+s14], $0x80, s12, s14, $0xb8;
	[tilespmem:$0x19C00] =	vst v63  }
0x1c: {  	s17 =	simm.s32 $0x200;
	s31 =	simm.s32 $0x7;
	s19 =	sshrl.u32 s0, $0xA  }
0x1d: {  	[tilespmem:s22], [sflag:$0x1] =	stream.indirect.gather [hbm4b:s2+s14], $0x80, s17, s14, $0xb8;
	[tilespmem:$0x19C00] =	vst v63  }
0x1e: {  	s29 =	sadd.s32 $0x800, s1;
	s0 =	sadd.s32 $0xFFFFFCA9, s0;
	s12 =	sand.u32 $0x3F, s19  }
0x1f: {  	[tilespmem:s24], [sflag:$0x1] =	stream.indirect.gather [hbm4b:s2+s14], $0x80, s23, s14, $0xb8;
	[tilespmem:$0x19C00] =	vst v63  }
0x20: {  	s0 =	sshrl.u32 s0, $0xA;
	s12 =	smul.u32 $0x6, s12;
	_ =	swait.ge [sflag:s25], $0x4000  }
0x21: {  	s0 =	sand.u32 $0x3F, s0;
	s17 =	simm.s32 $0x300;
	[sflag:s25] =	ssyncset.done $0x0  }
0x22: {  	s0 =	smul.u32 $0x6, s0;
	s12 =	ssub.s32 $0x6, s12;
	[sflag:s25] =	ssyncadd.s32 $0xFFFFC000  }
0x23: {  	[hbm4b:s5+s3] =	stream.linear.scatter [tilespmem:s15], [sflag:$0x2], $0x4000, $0x38;
	[tilespmem:$0x19C00] =	vst v63  }
0x24: {  	s12 =	sand.u32 $0xFF, s12;
	s0 =	ssub.s32 $0x6, s0;
	_ =	swait.ge [sflag:s26], $0x4000  }
0x25: {  	s12 =	sshll.u32 s12, $0xE;
	s0 =	sadd.s32 $0xFFFFFFFB, s0;
	[sflag:s26] =	ssyncset.done $0x0  }
0x26: {  	s12 =	sor.u32 $0x1C00, s12;
	s18 =	sand.u32 $0xFF, s0;
	[sflag:s26] =	ssyncadd.s32 $0xFFFFC000  }
0x27: {  	[tilespmem:s12], [sflag:$0x1] =	stream.indirect.gather [hbm4b:s2+s14], $0x80, s17, s14, $0xb8;
	[tilespmem:$0x19C00] =	vst v63  }
0x28: {  	s30 =	simm.s32 $0x380;
	s21 =	sshll.u32 s18, $0xE;
	_ =	swait.ge [sflag:s25], $0x4000  }
0x29: {  	s0 =	simm.s32 $0x8;
	s18 =	sor.u32 $0x1C00, s21;
	[sflag:s25] =	ssyncset.done $0x0  }
0x2a: {  	s17 =	smul.u32 $0xAB, s31;
	s12 =	smov.u32 s1;
	[sflag:s25] =	ssyncadd.s32 $0xFFFFC000  }
.LBB2_2:
0x2b: {  	[hbm4b:s12+s3] =	stream.linear.scatter [tilespmem:s18], [sflag:$0x2], $0x4000, $0x38;
	[tilespmem:$0x19C00] =	vst v63  }
0x2c: {  	s18 =	smov.u32 s0;
	s12 =	smov.u32 s29  }
0x2d: {  	s19 =	sadd.s32 $0x1, s0;
	s21 =	sshrl.u32 s17, $0xA;
	s17 =	sadd.s32 $0xFFFFFCA9, s17  }
0x2e: {  	p0 =	sne.s32 s0, $0x31;
	s0 =	sand.u32 $0x3F, s21;
	s17 =	sshrl.u32 s17, $0xA  }
0x2f: {  	s0 =	smul.u32 $0x6, s0;
	s17 =	sand.u32 $0x3F, s17  }
0x30: {  	s17 =	smul.u32 $0x6, s17  }
0x31: {  	s0 =	ssub.s32 s31, s0  }
0x32: {  	_ =	swait.ge [sflag:s26], $0x4000;
	s0 =	sand.u32 $0xFF, s0;
	s17 =	ssub.s32 s31, s17  }
0x33: {  	[sflag:s26] =	ssyncset.done $0x0;
	s0 =	sshll.u32 s0, $0xE;
	s17 =	sadd.s32 $0xFFFFFFFB, s17  }
0x34: {  	s29 =	sadd.s32 $0x800, s29;
	[sflag:s26] =	ssyncadd.s32 $0xFFFFC000  }
.Ltmp0:
0x35: {  	s0 =	sor.u32 $0x1C00, s0;
	s17 =	sand.u32 $0xFF, s17;
	(pc) =	sbr.rel @p0 .LBB2_2-.Ltmp0, $4  }
0x36: {  	[tilespmem:s0], [sflag:$0x1] =	stream.indirect.gather [hbm4b:s2+s14], $0x80, s30, s14, $0xb8;
	[tilespmem:$0x19C00] =	vst v63  }
0x37: {  	s31 =	smov.u32 s18;
	s0 =	sshll.u32 s17, $0xE;
	_ =	swait.ge [sflag:s25], $0x4000  }
0x38: {  	s30 =	sadd.s32 $0x80, s30;
	s17 =	smul.u32 $0xAB, s31;
	[sflag:s25] =	ssyncset.done $0x0  }
0x39: {  	s18 =	sor.u32 $0x1C00, s0;
	s0 =	smov.u32 s19;
	[sflag:s25] =	ssyncadd.s32 $0xFFFFC000  }
0x3a: {  	[hbm4b:s12+s3] =	stream.linear.scatter [tilespmem:s18], [sflag:$0x2], $0x4000, $0x38;
	[tilespmem:$0x19C00] =	vst v63  }
0x3b: {  	s0 =	sshrl.u32 s17, $0xA  }
0x3c: {  	s21 =	sadd.s32 $0xFFFFFCA9, s17;
	s0 =	sand.u32 $0x3F, s0  }
0x3d: {  	s12 =	sshrl.u32 s21, $0xA;
	s0 =	smul.u32 $0x6, s0  }
0x3e: {  	s12 =	sand.u32 $0x3F, s12  }
0x3f: {  	s12 =	smul.u32 $0x6, s12;
	s0 =	ssub.s32 s31, s0  }
0x40: {  	_ =	swait.ge [sflag:s26], $0x4000;
	s0 =	sand.u32 $0xFF, s0  }
0x41: {  	[sflag:s26] =	ssyncset.done $0x0;
	s12 =	ssub.s32 s31, s12;
	s0 =	sshll.u32 s0, $0xE  }
0x42: {  	[sflag:s26] =	ssyncadd.s32 $0xFFFFC000;
	s12 =	sadd.s32 $0xFFFFFFFB, s12;
	s0 =	sor.u32 $0x1C00, s0  }
0x43: {  	[tilespmem:s0], [sflag:$0x1] =	stream.indirect.gather [hbm4b:s2+s14], $0x80, s30, s14, $0xb8;
	[tilespmem:$0x19C00] =	vst v63  }
0x44: {  	s31 =	sand.u32 $0xFF, s12;
	_ =	swait.ge [sflag:s25], $0x4000  }
0x45: {  	s0 =	sshll.u32 s31, $0xE;
	[sflag:s25] =	ssyncset.done $0x0  }
0x46: {  	s0 =	sor.u32 $0x1C00, s0;
	[sflag:s25] =	ssyncadd.s32 $0xFFFFC000  }
0x47: {  	[hbm4b:s29+s3] =	stream.linear.scatter [tilespmem:s0], [sflag:$0x2], $0x4000, $0x38;
	[tilespmem:$0x19C00] =	vst v63  }
0x48: {  	_ =	swait.ge [sflag:s25], $0x4000  }
0x49: {  	[sflag:s25] =	ssyncset.done $0x0  }
0x4a: {  	[sflag:s25] =	ssyncadd.s32 $0xFFFFC000  }
0x4b: {  	[hbm4b:s6+s3] =	stream.linear.scatter [tilespmem:s20], [sflag:$0x2], $0x4000, $0x38;
	[tilespmem:$0x19C00] =	vst v63  }
0x4c: {  	_ =	swait.ge [sflag:s25], $0x4000  }
0x4d: {  	[sflag:s25] =	ssyncset.done $0x0  }
0x4e: {  	[sflag:s25] =	ssyncadd.s32 $0xFFFFC000  }
0x4f: {  	[hbm4b:s7+s3] =	stream.linear.scatter [tilespmem:s22], [sflag:$0x2], $0x4000, $0x38;
	[tilespmem:$0x19C00] =	vst v63  }
0x50: {  	_ =	swait.ge [sflag:s25], $0x4000  }
0x51: {  	[sflag:s25] =	ssyncset.done $0x0  }
0x52: {  	[sflag:s25] =	ssyncadd.s32 $0xFFFFC000  }
0x53: {  	[hbm4b:s8+s3] =	stream.linear.scatter [tilespmem:s24], [sflag:$0x2], $0x4000, $0x38;
	[tilespmem:$0x19C00] =	vst v63  }
0x54: {  	_ =	swait.ge [sflag:s25], $0x4000  }
0x55: {  	[sflag:s25] =	ssyncset.done $0x0  }
0x56: {  	[sflag:s25] =	ssyncadd.s32 $0xFFFFC000  }
0x57: {  	[hbm4b:s9+s3] =	stream.linear.scatter [tilespmem:s15], [sflag:$0x2], $0x4000, $0x38;
	[tilespmem:$0x19C00] =	vst v63  }
0x58: {  	_ =	swait.ge [sflag:s25], $0x4000  }
0x59: {  	[sflag:s25] =	ssyncset.done $0x0  }
0x5a: {  	[sflag:s25] =	ssyncadd.s32 $0xFFFFC000  }
0x5b: {  	[hbm4b:s10+s3] =	stream.linear.scatter [tilespmem:s16], [sflag:$0x2], $0x4000, $0x38;
	[tilespmem:$0x19C00] =	vst v63  }
0x5c: {  	_ =	swait.ge [sflag:s26], $0x4000  }
0x5d: {  	[sflag:s26] =	ssyncset.done $0x0  }
0x5e: {  	[sflag:s26] =	ssyncadd.s32 $0xFFFFC000  }
0x5f: {  	_ =	swait.ge [sflag:s26], $0x4000  }
0x60: {  	[sflag:s26] =	ssyncset.done $0x0  }
0x61: {  	[sflag:s26] =	ssyncadd.s32 $0xFFFFC000  }
0x62: {  	_ =	swait.ge [sflag:s26], $0x4000  }
0x63: {  	[sflag:s26] =	ssyncset.done $0x0  }
0x64: {  	[sflag:s26] =	ssyncadd.s32 $0xFFFFC000  }
0x65: {  	_ =	swait.ge [sflag:s26], $0x4000  }
0x66: {  	[sflag:s26] =	ssyncset.done $0x0  }
0x67: {  	s28 =	sadd.s32 $0x1, s28;
	[sflag:s26] =	ssyncadd.s32 $0xFFFFC000  }
0x68: {  	p0 =	sne.s32 s28, s11;
	_ =	swait.ge [sflag:s26], $0x4000  }
.Ltmp1:
0x69: {  	[sflag:s26] =	ssyncset.done $0x0;
	(pc) =	sbr.rel @p0 .LBB2_1-.Ltmp1, $4  }
0x6a: {  	[sflag:s26] =	ssyncadd.s32 $0xFFFFC000  }
0x6b: {  	_ =	swait.ge [sflag:s26], $0x4000  }
0x6c: {  	[sflag:s26] =	ssyncset.done $0x0  }
0x6d: {  	[sflag:s26] =	ssyncadd.s32 $0xFFFFC000  }
0x6e: {  	_ =	sfence.sel $0x180000  }
0x6f: {  	[bflag:$0x0] =	sbarrier.arrive $0xFFFF  }
0x70: {  	_ =	strace $0x90000047  }
0x71: {  	s0 =	stileid.u32;
	[bflag:$0x2] =	sbarrier.arrive $0xFFFF  }
0x72: {  	p0 =	sne.s32 s0, $0x0;
	s0 =	rddreg [dreg:$0x3]  }
0x73: {  	s0 =	sadd.s32 @!p0 $0x100000, s0  }
0x74: {  	[sflag:s0] =	ssyncadd.tile.s32 @!p0 $0x1;
	_ =	shalt  }
.Lfunc_end2:
_tile_overlayer_lowered:
.L_overlay_start_2:
0x75: {  	(tag) =	ssettag $0x2  }
0x76: {  	s0 =	rddreg [dreg:$0x0];
	s2 =	stileid.u32  }
0x77: {  	s1 =	rddreg [dreg:$0x1];
	p0 =	sne.s32 s2, $0x0  }
0x78: {  	s3 =	rddreg [dreg:$0x2];
	[bflag:$0x3] =	sbarrier.arrive $0xFFFF;
	s2 =	simm.s32 @!p0 $0x1C03  }
0x79: {  	[timem:s3], [sflag:s2] =	dma.local @!p0 [hbm:s0], s1  }
0x7a: {  	s0 =	simm.s32 @!p0 $0x3  }
0x7b: {  	_ =	swait.ge @!p0 [sflag:s0], s1  }
0x7c: {  	s1 =	ssub.s32 @!p0 $0x0, s1;
	[sflag:s0] =	ssyncset.done @!p0 $0x0  }
0x7d: {  	[sflag:s0] =	ssyncadd.s32 @!p0 s1  }
0x7e: {  	[bflag:$0x3] =	sbarrier.arrive $0xFFFF  }
0x7f: {  	_ =	shalt  }

</sc_bundles>
